<compile_context>
chip_gen: v7x
topology: tpu7x:2x2x1
jax: 0.10.2.dev20260603
libtpu: 0.0.44.dev20260713+nightly
codegen_flags: <defaults>
</compile_context>

<pallas_src>
import functools

import jax
import jax.numpy as jnp
from jax import lax
from jax.experimental import pallas as pl
from jax.experimental.pallas import tpu as pltpu
from jax.experimental.pallas import tpu_sc as plsc

SEQ_LEN = 200
BATCH = 1024
DIM = 64
B = SEQ_LEN * BATCH
NC = 2
NS = 16
NW = NC * NS
BPW = B // NW
G = 128
NCHUNK = BPW // G
NBUF = 5
NSUPER = NCHUNK // NBUF

_mesh = plsc.VectorSubcoreMesh(core_axis_name="c", subcore_axis_name="s")


@functools.partial(
    pl.kernel,
    mesh=_mesh,
    compiler_params=pltpu.CompilerParams(use_tc_tiling_on_sc=False),
    out_type=jax.ShapeDtypeStruct((B, DIM), jnp.float32),
    scratch_types=[
        pltpu.VMEM((NCHUNK, G), jnp.int32),
        pltpu.VMEM((NBUF, G, DIM), jnp.float32),
    ]
    + [pltpu.SemaphoreType.DMA] * (2 * NBUF),
)
def _gather(idx_hbm, table_hbm, out_hbm, idx_v, rows_v, *sems):
    gsem = sems[:NBUF]
    wsem = sems[NBUF:]
    wid = lax.axis_index("s") * NC + lax.axis_index("c")
    chunk0 = wid * NCHUNK

    pltpu.sync_copy(idx_hbm.at[pl.ds(chunk0, NCHUNK)], idx_v)

    def fire_gather(g, b):
        pltpu.async_copy(table_hbm.at[idx_v.at[g]], rows_v.at[b], gsem[b])

    def wait_gather(b):
        pltpu.make_async_copy(
            table_hbm.at[idx_v.at[0]], rows_v.at[b], gsem[b]
        ).wait()

    def fire_wb(g, b):
        pltpu.async_copy(
            rows_v.at[b], out_hbm.at[pl.ds((chunk0 + g) * G, G)], wsem[b]
        )

    def wait_wb(b):
        pltpu.make_async_copy(
            rows_v.at[b], out_hbm.at[pl.ds(0, G)], wsem[b]
        ).wait()

    for b in range(NBUF):
        fire_gather(b, b)

    def body(s, carry):
        base = s * NBUF
        for b in range(NBUF):
            wait_gather(b)
            fire_wb(base + b, b)
        for b in range(NBUF):
            wait_wb(b)
            fire_gather(base + NBUF + b, b)
        return carry

    lax.fori_loop(0, NSUPER - 1, body, 0)

    last = (NSUPER - 1) * NBUF
    for b in range(NBUF):
        wait_gather(b)
        fire_wb(last + b, b)
    for b in range(NBUF):
        wait_wb(b)


def kernel(source, W):
    idx = source.reshape(NW * NCHUNK, G)
    out = _gather(idx, W)
    return out.reshape(SEQ_LEN, BATCH, DIM)

# --- scband reference (transcript-rebuilt; emitter-appended) ---
"""Pipeline reference for scband-embeddings-11639361372801 (READ-ONLY COPY).

The authoritative reference and input builder live on the scoring server;
editing this copy changes nothing except your own understanding.
"""

import jax, jax.numpy as jnp
import numpy as np

SEQ_LEN = 200
BATCH = 1024
VOCAB = 1000000
DIM = 64
PAD_IDX = 0


def setup_inputs(seed: int = 0) -> dict:
    key = jax.random.key(seed)
    k1, k2 = jax.random.split(key)
    source = jax.random.randint(k1, (SEQ_LEN, BATCH, 1), 0, VOCAB, dtype=jnp.int32)
    # Embedding table (nn.Embedding weight); padding_idx row zeroed as torch does at init.
    W = jax.random.normal(k2, (VOCAB, DIM), dtype=jnp.float32)
    W = W.at[PAD_IDX].set(0.0)
    return {"source": source, "W": W}


def reference(source, W):
    # Elementwise: split source along dim=2 into one [seq, batch] tensor (n_feats=1),
    # squeeze, embed, and concat embeddings along dim 2.
    idx = source[:, :, 0]
    emb = jnp.take(W, idx, axis=0)  # [seq, batch, DIM]
    # cat of a single feature embedding along dim=2 is identity
    return emb

if __name__ == "__main__":
    import jax
    _d = setup_inputs()
    print(jax.jit(kernel)(*tuple(_d.values())))

</pallas_src>

<mosaic_0001>
#map = affine_map<(d0, d1) -> (0, 0)>
module attributes {stable_mosaic.version = 14 : i64} {
  func.func @_gather(%arg0: i32, %arg1: i32, %arg2: memref<1600x128xi32, #tpu.memory_space<hbm>>, %arg3: memref<1000000x64xf32, #tpu.memory_space<hbm>>, %arg4: memref<204800x64xf32, #tpu.memory_space<hbm>>, %arg5: memref<50x128xi32, #tpu.memory_space<vmem>>, %arg6: memref<5x128x64xf32, #tpu.memory_space<vmem>>, %arg7: memref<!tpu.dma_semaphore, #tpu.memory_space<semaphore_mem>>, %arg8: memref<!tpu.dma_semaphore, #tpu.memory_space<semaphore_mem>>, %arg9: memref<!tpu.dma_semaphore, #tpu.memory_space<semaphore_mem>>, %arg10: memref<!tpu.dma_semaphore, #tpu.memory_space<semaphore_mem>>, %arg11: memref<!tpu.dma_semaphore, #tpu.memory_space<semaphore_mem>>, %arg12: memref<!tpu.dma_semaphore, #tpu.memory_space<semaphore_mem>>, %arg13: memref<!tpu.dma_semaphore, #tpu.memory_space<semaphore_mem>>, %arg14: memref<!tpu.dma_semaphore, #tpu.memory_space<semaphore_mem>>, %arg15: memref<!tpu.dma_semaphore, #tpu.memory_space<semaphore_mem>>, %arg16: memref<!tpu.dma_semaphore, #tpu.memory_space<semaphore_mem>>) attributes {dimension_semantics = [#tpu.dimension_semantics<core_parallel>, #tpu.dimension_semantics<subcore_parallel>], iteration_bounds = array<i64: 2, 16>, scalar_prefetch = 0 : i64, scratch_operands = 12 : i64, tpu.core_type = #tpu.core_type<sc_vector_subcore>, window_params = [{transform_indices = #map}, {transform_indices = #map}, {transform_indices = #map}]} {
    %mul3A = arith.constant 2 : i32
    %mul3A_0 = arith.muli %arg1, %mul3A : i32
    %add3A = arith.addi %mul3A_0, %arg0 : i32
    %mul3A_1 = arith.constant 50 : i32
    %mul3A_2 = arith.muli %add3A, %mul3A_1 : i32
    "tpu.region"() ({
      %run_scoped3A = tpu.sem_alloc : memref<!tpu.dma_semaphore, #tpu.memory_space<semaphore_mem>>
      %dma_start3A_286 = arith.constant 0 : i32
      %dma_start3A_287 = tpu.memref_slice %arg2[%mul3A_2, %dma_start3A_286] : memref<1600x128xi32, #tpu.memory_space<hbm>> -> memref<50x128xi32, #tpu.memory_space<hbm>>
      %dma_start3A_288 = arith.constant 0 : i32
      %dma_start3A_289 = tpu.memref_slice %arg2[%mul3A_2, %dma_start3A_288] : memref<1600x128xi32, #tpu.memory_space<hbm>> -> memref<50x128xi32, #tpu.memory_space<hbm>>
      tpu.enqueue_dma source(%dma_start3A_289 : memref<50x128xi32, #tpu.memory_space<hbm>>) target(%arg5 : memref<50x128xi32, #tpu.memory_space<vmem>>) target_semaphore(%run_scoped3A : memref<!tpu.dma_semaphore, #tpu.memory_space<semaphore_mem>>)
      %dma_wait3A_290 = arith.constant 0 : i32
      %dma_wait3A_291 = tpu.memref_slice %arg2[%mul3A_2, %dma_wait3A_290] : memref<1600x128xi32, #tpu.memory_space<hbm>> -> memref<50x128xi32, #tpu.memory_space<hbm>>
      %dma_wait3A_292 = arith.constant 0 : i32
      %dma_wait3A_293 = tpu.memref_slice %arg2[%mul3A_2, %dma_wait3A_292] : memref<1600x128xi32, #tpu.memory_space<hbm>> -> memref<50x128xi32, #tpu.memory_space<hbm>>
      tpu.wait_dma2 semaphore(%run_scoped3A : memref<!tpu.dma_semaphore, #tpu.memory_space<semaphore_mem>>) src(%dma_wait3A_293 : memref<50x128xi32, #tpu.memory_space<hbm>>) dst(%arg5 : memref<50x128xi32, #tpu.memory_space<vmem>>)
      tpu.yield
    }) : () -> ()
    %dma_start3A = arith.constant 0 : i32
    %dma_start3A_3 = arith.constant 0 : i32
    %dma_start3A_4 = arith.constant 0 : i32
    %dma_start3A_5 = arith.constant 0 : i32
    %dma_start3A_6 = tpu.memref_slice %arg6[%dma_start3A_3, %dma_start3A_4, %dma_start3A_5] : memref<5x128x64xf32, #tpu.memory_space<vmem>> -> memref<1x128x64xf32, #tpu.memory_space<vmem>>
    %dma_start3A_7 = tpu.memref_squeeze %dma_start3A_6 : memref<1x128x64xf32, #tpu.memory_space<vmem>> -> memref<128x64xf32, #tpu.memory_space<vmem>>
    %dma_start3A_8 = arith.constant 0 : i32
    %dma_start3A_9 = tpu.memref_slice %arg5[%dma_start3A, %dma_start3A_8] : memref<50x128xi32, #tpu.memory_space<vmem>> -> memref<1x128xi32, #tpu.memory_space<vmem>>
    %dma_start3A_10 = tpu.memref_squeeze %dma_start3A_9 : memref<1x128xi32, #tpu.memory_space<vmem>> -> memref<128xi32, #tpu.memory_space<vmem>>
    %dma_start3A_11 = arith.constant 0 : i32
    %dma_start3A_12 = arith.constant 0 : i32
    %dma_start3A_13 = tpu.memref_slice %arg3[%dma_start3A_11, %dma_start3A_12] : memref<1000000x64xf32, #tpu.memory_space<hbm>> -> memref<1000000x64xf32, #tpu.memory_space<hbm>>
    tpu.enqueue_indirect_dma source(%dma_start3A_13 : memref<1000000x64xf32, #tpu.memory_space<hbm>>) target(%dma_start3A_7 : memref<128x64xf32, #tpu.memory_space<vmem>>) offsets(%dma_start3A_10 : memref<128xi32, #tpu.memory_space<vmem>>) semaphore(%arg7 : memref<!tpu.dma_semaphore, #tpu.memory_space<semaphore_mem>>)
    %dma_start3A_14 = arith.constant 1 : i32
    %dma_start3A_15 = arith.constant 1 : i32
    %dma_start3A_16 = arith.constant 0 : i32
    %dma_start3A_17 = arith.constant 0 : i32
    %dma_start3A_18 = tpu.memref_slice %arg6[%dma_start3A_15, %dma_start3A_16, %dma_start3A_17] : memref<5x128x64xf32, #tpu.memory_space<vmem>> -> memref<1x128x64xf32, #tpu.memory_space<vmem>>
    %dma_start3A_19 = tpu.memref_squeeze %dma_start3A_18 : memref<1x128x64xf32, #tpu.memory_space<vmem>> -> memref<128x64xf32, #tpu.memory_space<vmem>>
    %dma_start3A_20 = arith.constant 0 : i32
    %dma_start3A_21 = tpu.memref_slice %arg5[%dma_start3A_14, %dma_start3A_20] : memref<50x128xi32, #tpu.memory_space<vmem>> -> memref<1x128xi32, #tpu.memory_space<vmem>>
    %dma_start3A_22 = tpu.memref_squeeze %dma_start3A_21 : memref<1x128xi32, #tpu.memory_space<vmem>> -> memref<128xi32, #tpu.memory_space<vmem>>
    %dma_start3A_23 = arith.constant 0 : i32
    %dma_start3A_24 = arith.constant 0 : i32
    %dma_start3A_25 = tpu.memref_slice %arg3[%dma_start3A_23, %dma_start3A_24] : memref<1000000x64xf32, #tpu.memory_space<hbm>> -> memref<1000000x64xf32, #tpu.memory_space<hbm>>
    tpu.enqueue_indirect_dma source(%dma_start3A_25 : memref<1000000x64xf32, #tpu.memory_space<hbm>>) target(%dma_start3A_19 : memref<128x64xf32, #tpu.memory_space<vmem>>) offsets(%dma_start3A_22 : memref<128xi32, #tpu.memory_space<vmem>>) semaphore(%arg8 : memref<!tpu.dma_semaphore, #tpu.memory_space<semaphore_mem>>)
    %dma_start3A_26 = arith.constant 2 : i32
    %dma_start3A_27 = arith.constant 2 : i32
    %dma_start3A_28 = arith.constant 0 : i32
    %dma_start3A_29 = arith.constant 0 : i32
    %dma_start3A_30 = tpu.memref_slice %arg6[%dma_start3A_27, %dma_start3A_28, %dma_start3A_29] : memref<5x128x64xf32, #tpu.memory_space<vmem>> -> memref<1x128x64xf32, #tpu.memory_space<vmem>>
    %dma_start3A_31 = tpu.memref_squeeze %dma_start3A_30 : memref<1x128x64xf32, #tpu.memory_space<vmem>> -> memref<128x64xf32, #tpu.memory_space<vmem>>
    %dma_start3A_32 = arith.constant 0 : i32
    %dma_start3A_33 = tpu.memref_slice %arg5[%dma_start3A_26, %dma_start3A_32] : memref<50x128xi32, #tpu.memory_space<vmem>> -> memref<1x128xi32, #tpu.memory_space<vmem>>
    %dma_start3A_34 = tpu.memref_squeeze %dma_start3A_33 : memref<1x128xi32, #tpu.memory_space<vmem>> -> memref<128xi32, #tpu.memory_space<vmem>>
    %dma_start3A_35 = arith.constant 0 : i32
    %dma_start3A_36 = arith.constant 0 : i32
    %dma_start3A_37 = tpu.memref_slice %arg3[%dma_start3A_35, %dma_start3A_36] : memref<1000000x64xf32, #tpu.memory_space<hbm>> -> memref<1000000x64xf32, #tpu.memory_space<hbm>>
    tpu.enqueue_indirect_dma source(%dma_start3A_37 : memref<1000000x64xf32, #tpu.memory_space<hbm>>) target(%dma_start3A_31 : memref<128x64xf32, #tpu.memory_space<vmem>>) offsets(%dma_start3A_34 : memref<128xi32, #tpu.memory_space<vmem>>) semaphore(%arg9 : memref<!tpu.dma_semaphore, #tpu.memory_space<semaphore_mem>>)
    %dma_start3A_38 = arith.constant 3 : i32
    %dma_start3A_39 = arith.constant 3 : i32
    %dma_start3A_40 = arith.constant 0 : i32
    %dma_start3A_41 = arith.constant 0 : i32
    %dma_start3A_42 = tpu.memref_slice %arg6[%dma_start3A_39, %dma_start3A_40, %dma_start3A_41] : memref<5x128x64xf32, #tpu.memory_space<vmem>> -> memref<1x128x64xf32, #tpu.memory_space<vmem>>
    %dma_start3A_43 = tpu.memref_squeeze %dma_start3A_42 : memref<1x128x64xf32, #tpu.memory_space<vmem>> -> memref<128x64xf32, #tpu.memory_space<vmem>>
    %dma_start3A_44 = arith.constant 0 : i32
    %dma_start3A_45 = tpu.memref_slice %arg5[%dma_start3A_38, %dma_start3A_44] : memref<50x128xi32, #tpu.memory_space<vmem>> -> memref<1x128xi32, #tpu.memory_space<vmem>>
    %dma_start3A_46 = tpu.memref_squeeze %dma_start3A_45 : memref<1x128xi32, #tpu.memory_space<vmem>> -> memref<128xi32, #tpu.memory_space<vmem>>
    %dma_start3A_47 = arith.constant 0 : i32
    %dma_start3A_48 = arith.constant 0 : i32
    %dma_start3A_49 = tpu.memref_slice %arg3[%dma_start3A_47, %dma_start3A_48] : memref<1000000x64xf32, #tpu.memory_space<hbm>> -> memref<1000000x64xf32, #tpu.memory_space<hbm>>
    tpu.enqueue_indirect_dma source(%dma_start3A_49 : memref<1000000x64xf32, #tpu.memory_space<hbm>>) target(%dma_start3A_43 : memref<128x64xf32, #tpu.memory_space<vmem>>) offsets(%dma_start3A_46 : memref<128xi32, #tpu.memory_space<vmem>>) semaphore(%arg10 : memref<!tpu.dma_semaphore, #tpu.memory_space<semaphore_mem>>)
    %dma_start3A_50 = arith.constant 4 : i32
    %dma_start3A_51 = arith.constant 4 : i32
    %dma_start3A_52 = arith.constant 0 : i32
    %dma_start3A_53 = arith.constant 0 : i32
    %dma_start3A_54 = tpu.memref_slice %arg6[%dma_start3A_51, %dma_start3A_52, %dma_start3A_53] : memref<5x128x64xf32, #tpu.memory_space<vmem>> -> memref<1x128x64xf32, #tpu.memory_space<vmem>>
    %dma_start3A_55 = tpu.memref_squeeze %dma_start3A_54 : memref<1x128x64xf32, #tpu.memory_space<vmem>> -> memref<128x64xf32, #tpu.memory_space<vmem>>
    %dma_start3A_56 = arith.constant 0 : i32
    %dma_start3A_57 = tpu.memref_slice %arg5[%dma_start3A_50, %dma_start3A_56] : memref<50x128xi32, #tpu.memory_space<vmem>> -> memref<1x128xi32, #tpu.memory_space<vmem>>
    %dma_start3A_58 = tpu.memref_squeeze %dma_start3A_57 : memref<1x128xi32, #tpu.memory_space<vmem>> -> memref<128xi32, #tpu.memory_space<vmem>>
    %dma_start3A_59 = arith.constant 0 : i32
    %dma_start3A_60 = arith.constant 0 : i32
    %dma_start3A_61 = tpu.memref_slice %arg3[%dma_start3A_59, %dma_start3A_60] : memref<1000000x64xf32, #tpu.memory_space<hbm>> -> memref<1000000x64xf32, #tpu.memory_space<hbm>>
    tpu.enqueue_indirect_dma source(%dma_start3A_61 : memref<1000000x64xf32, #tpu.memory_space<hbm>>) target(%dma_start3A_55 : memref<128x64xf32, #tpu.memory_space<vmem>>) offsets(%dma_start3A_58 : memref<128xi32, #tpu.memory_space<vmem>>) semaphore(%arg11 : memref<!tpu.dma_semaphore, #tpu.memory_space<semaphore_mem>>)
    %scan3A = arith.constant 0 : i32
    %scan3A_62 = arith.constant 0 : i32
    %scan3A_63 = arith.constant 9 : i32
    %scan3A_64 = arith.addi %scan3A_62, %scan3A_63 : i32
    %scan3A_65 = arith.constant 1 : i32
    scf.for %scan3A_286 = %scan3A_62 to %scan3A_64 step %scan3A_65  : i32 {
      %mul3A_287 = arith.constant 5 : i32
      %mul3A_288 = arith.muli %scan3A_286, %mul3A_287 : i32
      %dma_wait3A_289 = arith.constant 0 : i32
      %dma_wait3A_290 = arith.constant 0 : i32
      %dma_wait3A_291 = arith.constant 0 : i32
      %dma_wait3A_292 = arith.constant 0 : i32
      %dma_wait3A_293 = tpu.memref_slice %arg6[%dma_wait3A_290, %dma_wait3A_291, %dma_wait3A_292] : memref<5x128x64xf32, #tpu.memory_space<vmem>> -> memref<1x128x64xf32, #tpu.memory_space<vmem>>
      %dma_wait3A_294 = tpu.memref_squeeze %dma_wait3A_293 : memref<1x128x64xf32, #tpu.memory_space<vmem>> -> memref<128x64xf32, #tpu.memory_space<vmem>>
      %dma_wait3A_295 = arith.constant 0 : i32
      %dma_wait3A_296 = tpu.memref_slice %arg5[%dma_wait3A_289, %dma_wait3A_295] : memref<50x128xi32, #tpu.memory_space<vmem>> -> memref<1x128xi32, #tpu.memory_space<vmem>>
      %dma_wait3A_297 = tpu.memref_squeeze %dma_wait3A_296 : memref<1x128xi32, #tpu.memory_space<vmem>> -> memref<128xi32, #tpu.memory_space<vmem>>
      %dma_wait3A_298 = arith.constant 0 : i32
      %dma_wait3A_299 = arith.constant 0 : i32
      %dma_wait3A_300 = tpu.memref_slice %arg3[%dma_wait3A_298, %dma_wait3A_299] : memref<1000000x64xf32, #tpu.memory_space<hbm>> -> memref<1000000x64xf32, #tpu.memory_space<hbm>>
      tpu.wait_indirect_dma semaphore(%arg7 : memref<!tpu.dma_semaphore, #tpu.memory_space<semaphore_mem>>) src(%dma_wait3A_300 : memref<1000000x64xf32, #tpu.memory_space<hbm>>) dst(%dma_wait3A_294 : memref<128x64xf32, #tpu.memory_space<vmem>>)
      %add3A_301 = arith.constant 0 : i32
      %add3A_302 = arith.addi %mul3A_288, %add3A_301 : i32
      %add3A_303 = arith.addi %mul3A_2, %add3A_302 : i32
      %mul3A_304 = arith.constant 128 : i32
      %mul3A_305 = arith.muli %add3A_303, %mul3A_304 : i32
      %dma_start3A_306 = arith.constant 0 : i32
      %dma_start3A_307 = arith.constant 0 : i32
      %dma_start3A_308 = arith.constant 0 : i32
      %dma_start3A_309 = tpu.memref_slice %arg6[%dma_start3A_306, %dma_start3A_307, %dma_start3A_308] : memref<5x128x64xf32, #tpu.memory_space<vmem>> -> memref<1x128x64xf32, #tpu.memory_space<vmem>>
      %dma_start3A_310 = tpu.memref_squeeze %dma_start3A_309 : memref<1x128x64xf32, #tpu.memory_space<vmem>> -> memref<128x64xf32, #tpu.memory_space<vmem>>
      %dma_start3A_311 = arith.constant 0 : i32
      %dma_start3A_312 = tpu.memref_slice %arg4[%mul3A_305, %dma_start3A_311] : memref<204800x64xf32, #tpu.memory_space<hbm>> -> memref<128x64xf32, #tpu.memory_space<hbm>>
      %dma_start3A_313 = arith.constant 0 : i32
      %dma_start3A_314 = tpu.memref_slice %arg4[%mul3A_305, %dma_start3A_313] : memref<204800x64xf32, #tpu.memory_space<hbm>> -> memref<128x64xf32, #tpu.memory_space<hbm>>
      %dma_start3A_315 = arith.constant 0 : i32
      %dma_start3A_316 = arith.constant 0 : i32
      %dma_start3A_317 = tpu.memref_slice %arg6[%dma_start3A_306, %dma_start3A_315, %dma_start3A_316] : memref<5x128x64xf32, #tpu.memory_space<vmem>> -> memref<1x128x64xf32, #tpu.memory_space<vmem>>
      %dma_start3A_318 = tpu.memref_squeeze %dma_start3A_317 : memref<1x128x64xf32, #tpu.memory_space<vmem>> -> memref<128x64xf32, #tpu.memory_space<vmem>>
      tpu.enqueue_dma source(%dma_start3A_318 : memref<128x64xf32, #tpu.memory_space<vmem>>) target(%dma_start3A_314 : memref<128x64xf32, #tpu.memory_space<hbm>>) target_semaphore(%arg12 : memref<!tpu.dma_semaphore, #tpu.memory_space<semaphore_mem>>)
      %dma_wait3A_319 = arith.constant 0 : i32
      %dma_wait3A_320 = arith.constant 1 : i32
      %dma_wait3A_321 = arith.constant 0 : i32
      %dma_wait3A_322 = arith.constant 0 : i32
      %dma_wait3A_323 = tpu.memref_slice %arg6[%dma_wait3A_320, %dma_wait3A_321, %dma_wait3A_322] : memref<5x128x64xf32, #tpu.memory_space<vmem>> -> memref<1x128x64xf32, #tpu.memory_space<vmem>>
      %dma_wait3A_324 = tpu.memref_squeeze %dma_wait3A_323 : memref<1x128x64xf32, #tpu.memory_space<vmem>> -> memref<128x64xf32, #tpu.memory_space<vmem>>
      %dma_wait3A_325 = arith.constant 0 : i32
      %dma_wait3A_326 = tpu.memref_slice %arg5[%dma_wait3A_319, %dma_wait3A_325] : memref<50x128xi32, #tpu.memory_space<vmem>> -> memref<1x128xi32, #tpu.memory_space<vmem>>
      %dma_wait3A_327 = tpu.memref_squeeze %dma_wait3A_326 : memref<1x128xi32, #tpu.memory_space<vmem>> -> memref<128xi32, #tpu.memory_space<vmem>>
      %dma_wait3A_328 = arith.constant 0 : i32
      %dma_wait3A_329 = arith.constant 0 : i32
      %dma_wait3A_330 = tpu.memref_slice %arg3[%dma_wait3A_328, %dma_wait3A_329] : memref<1000000x64xf32, #tpu.memory_space<hbm>> -> memref<1000000x64xf32, #tpu.memory_space<hbm>>
      tpu.wait_indirect_dma semaphore(%arg8 : memref<!tpu.dma_semaphore, #tpu.memory_space<semaphore_mem>>) src(%dma_wait3A_330 : memref<1000000x64xf32, #tpu.memory_space<hbm>>) dst(%dma_wait3A_324 : memref<128x64xf32, #tpu.memory_space<vmem>>)
      %add3A_331 = arith.constant 1 : i32
      %add3A_332 = arith.addi %mul3A_288, %add3A_331 : i32
      %add3A_333 = arith.addi %mul3A_2, %add3A_332 : i32
      %mul3A_334 = arith.constant 128 : i32
      %mul3A_335 = arith.muli %add3A_333, %mul3A_334 : i32
      %dma_start3A_336 = arith.constant 1 : i32
      %dma_start3A_337 = arith.constant 0 : i32
      %dma_start3A_338 = arith.constant 0 : i32
      %dma_start3A_339 = tpu.memref_slice %arg6[%dma_start3A_336, %dma_start3A_337, %dma_start3A_338] : memref<5x128x64xf32, #tpu.memory_space<vmem>> -> memref<1x128x64xf32, #tpu.memory_space<vmem>>
      %dma_start3A_340 = tpu.memref_squeeze %dma_start3A_339 : memref<1x128x64xf32, #tpu.memory_space<vmem>> -> memref<128x64xf32, #tpu.memory_space<vmem>>
      %dma_start3A_341 = arith.constant 0 : i32
      %dma_start3A_342 = tpu.memref_slice %arg4[%mul3A_335, %dma_start3A_341] : memref<204800x64xf32, #tpu.memory_space<hbm>> -> memref<128x64xf32, #tpu.memory_space<hbm>>
      %dma_start3A_343 = arith.constant 0 : i32
      %dma_start3A_344 = tpu.memref_slice %arg4[%mul3A_335, %dma_start3A_343] : memref<204800x64xf32, #tpu.memory_space<hbm>> -> memref<128x64xf32, #tpu.memory_space<hbm>>
      %dma_start3A_345 = arith.constant 0 : i32
      %dma_start3A_346 = arith.constant 0 : i32
      %dma_start3A_347 = tpu.memref_slice %arg6[%dma_start3A_336, %dma_start3A_345, %dma_start3A_346] : memref<5x128x64xf32, #tpu.memory_space<vmem>> -> memref<1x128x64xf32, #tpu.memory_space<vmem>>
      %dma_start3A_348 = tpu.memref_squeeze %dma_start3A_347 : memref<1x128x64xf32, #tpu.memory_space<vmem>> -> memref<128x64xf32, #tpu.memory_space<vmem>>
      tpu.enqueue_dma source(%dma_start3A_348 : memref<128x64xf32, #tpu.memory_space<vmem>>) target(%dma_start3A_344 : memref<128x64xf32, #tpu.memory_space<hbm>>) target_semaphore(%arg13 : memref<!tpu.dma_semaphore, #tpu.memory_space<semaphore_mem>>)
      %dma_wait3A_349 = arith.constant 0 : i32
      %dma_wait3A_350 = arith.constant 2 : i32
      %dma_wait3A_351 = arith.constant 0 : i32
      %dma_wait3A_352 = arith.constant 0 : i32
      %dma_wait3A_353 = tpu.memref_slice %arg6[%dma_wait3A_350, %dma_wait3A_351, %dma_wait3A_352] : memref<5x128x64xf32, #tpu.memory_space<vmem>> -> memref<1x128x64xf32, #tpu.memory_space<vmem>>
      %dma_wait3A_354 = tpu.memref_squeeze %dma_wait3A_353 : memref<1x128x64xf32, #tpu.memory_space<vmem>> -> memref<128x64xf32, #tpu.memory_space<vmem>>
      %dma_wait3A_355 = arith.constant 0 : i32
      %dma_wait3A_356 = tpu.memref_slice %arg5[%dma_wait3A_349, %dma_wait3A_355] : memref<50x128xi32, #tpu.memory_space<vmem>> -> memref<1x128xi32, #tpu.memory_space<vmem>>
      %dma_wait3A_357 = tpu.memref_squeeze %dma_wait3A_356 : memref<1x128xi32, #tpu.memory_space<vmem>> -> memref<128xi32, #tpu.memory_space<vmem>>
      %dma_wait3A_358 = arith.constant 0 : i32
      %dma_wait3A_359 = arith.constant 0 : i32
      %dma_wait3A_360 = tpu.memref_slice %arg3[%dma_wait3A_358, %dma_wait3A_359] : memref<1000000x64xf32, #tpu.memory_space<hbm>> -> memref<1000000x64xf32, #tpu.memory_space<hbm>>
      tpu.wait_indirect_dma semaphore(%arg9 : memref<!tpu.dma_semaphore, #tpu.memory_space<semaphore_mem>>) src(%dma_wait3A_360 : memref<1000000x64xf32, #tpu.memory_space<hbm>>) dst(%dma_wait3A_354 : memref<128x64xf32, #tpu.memory_space<vmem>>)
      %add3A_361 = arith.constant 2 : i32
      %add3A_362 = arith.addi %mul3A_288, %add3A_361 : i32
      %add3A_363 = arith.addi %mul3A_2, %add3A_362 : i32
      %mul3A_364 = arith.constant 128 : i32
      %mul3A_365 = arith.muli %add3A_363, %mul3A_364 : i32
      %dma_start3A_366 = arith.constant 2 : i32
      %dma_start3A_367 = arith.constant 0 : i32
      %dma_start3A_368 = arith.constant 0 : i32
      %dma_start3A_369 = tpu.memref_slice %arg6[%dma_start3A_366, %dma_start3A_367, %dma_start3A_368] : memref<5x128x64xf32, #tpu.memory_space<vmem>> -> memref<1x128x64xf32, #tpu.memory_space<vmem>>
      %dma_start3A_370 = tpu.memref_squeeze %dma_start3A_369 : memref<1x128x64xf32, #tpu.memory_space<vmem>> -> memref<128x64xf32, #tpu.memory_space<vmem>>
      %dma_start3A_371 = arith.constant 0 : i32
      %dma_start3A_372 = tpu.memref_slice %arg4[%mul3A_365, %dma_start3A_371] : memref<204800x64xf32, #tpu.memory_space<hbm>> -> memref<128x64xf32, #tpu.memory_space<hbm>>
      %dma_start3A_373 = arith.constant 0 : i32
      %dma_start3A_374 = tpu.memref_slice %arg4[%mul3A_365, %dma_start3A_373] : memref<204800x64xf32, #tpu.memory_space<hbm>> -> memref<128x64xf32, #tpu.memory_space<hbm>>
      %dma_start3A_375 = arith.constant 0 : i32
      %dma_start3A_376 = arith.constant 0 : i32
      %dma_start3A_377 = tpu.memref_slice %arg6[%dma_start3A_366, %dma_start3A_375, %dma_start3A_376] : memref<5x128x64xf32, #tpu.memory_space<vmem>> -> memref<1x128x64xf32, #tpu.memory_space<vmem>>
      %dma_start3A_378 = tpu.memref_squeeze %dma_start3A_377 : memref<1x128x64xf32, #tpu.memory_space<vmem>> -> memref<128x64xf32, #tpu.memory_space<vmem>>
      tpu.enqueue_dma source(%dma_start3A_378 : memref<128x64xf32, #tpu.memory_space<vmem>>) target(%dma_start3A_374 : memref<128x64xf32, #tpu.memory_space<hbm>>) target_semaphore(%arg14 : memref<!tpu.dma_semaphore, #tpu.memory_space<semaphore_mem>>)
      %dma_wait3A_379 = arith.constant 0 : i32
      %dma_wait3A_380 = arith.constant 3 : i32
      %dma_wait3A_381 = arith.constant 0 : i32
      %dma_wait3A_382 = arith.constant 0 : i32
      %dma_wait3A_383 = tpu.memref_slice %arg6[%dma_wait3A_380, %dma_wait3A_381, %dma_wait3A_382] : memref<5x128x64xf32, #tpu.memory_space<vmem>> -> memref<1x128x64xf32, #tpu.memory_space<vmem>>
      %dma_wait3A_384 = tpu.memref_squeeze %dma_wait3A_383 : memref<1x128x64xf32, #tpu.memory_space<vmem>> -> memref<128x64xf32, #tpu.memory_space<vmem>>
      %dma_wait3A_385 = arith.constant 0 : i32
      %dma_wait3A_386 = tpu.memref_slice %arg5[%dma_wait3A_379, %dma_wait3A_385] : memref<50x128xi32, #tpu.memory_space<vmem>> -> memref<1x128xi32, #tpu.memory_space<vmem>>
      %dma_wait3A_387 = tpu.memref_squeeze %dma_wait3A_386 : memref<1x128xi32, #tpu.memory_space<vmem>> -> memref<128xi32, #tpu.memory_space<vmem>>
      %dma_wait3A_388 = arith.constant 0 : i32
      %dma_wait3A_389 = arith.constant 0 : i32
      %dma_wait3A_390 = tpu.memref_slice %arg3[%dma_wait3A_388, %dma_wait3A_389] : memref<1000000x64xf32, #tpu.memory_space<hbm>> -> memref<1000000x64xf32, #tpu.memory_space<hbm>>
      tpu.wait_indirect_dma semaphore(%arg10 : memref<!tpu.dma_semaphore, #tpu.memory_space<semaphore_mem>>) src(%dma_wait3A_390 : memref<1000000x64xf32, #tpu.memory_space<hbm>>) dst(%dma_wait3A_384 : memref<128x64xf32, #tpu.memory_space<vmem>>)
      %add3A_391 = arith.constant 3 : i32
      %add3A_392 = arith.addi %mul3A_288, %add3A_391 : i32
      %add3A_393 = arith.addi %mul3A_2, %add3A_392 : i32
      %mul3A_394 = arith.constant 128 : i32
      %mul3A_395 = arith.muli %add3A_393, %mul3A_394 : i32
      %dma_start3A_396 = arith.constant 3 : i32
      %dma_start3A_397 = arith.constant 0 : i32
      %dma_start3A_398 = arith.constant 0 : i32
      %dma_start3A_399 = tpu.memref_slice %arg6[%dma_start3A_396, %dma_start3A_397, %dma_start3A_398] : memref<5x128x64xf32, #tpu.memory_space<vmem>> -> memref<1x128x64xf32, #tpu.memory_space<vmem>>
      %dma_start3A_400 = tpu.memref_squeeze %dma_start3A_399 : memref<1x128x64xf32, #tpu.memory_space<vmem>> -> memref<128x64xf32, #tpu.memory_space<vmem>>
      %dma_start3A_401 = arith.constant 0 : i32
      %dma_start3A_402 = tpu.memref_slice %arg4[%mul3A_395, %dma_start3A_401] : memref<204800x64xf32, #tpu.memory_space<hbm>> -> memref<128x64xf32, #tpu.memory_space<hbm>>
      %dma_start3A_403 = arith.constant 0 : i32
      %dma_start3A_404 = tpu.memref_slice %arg4[%mul3A_395, %dma_start3A_403] : memref<204800x64xf32, #tpu.memory_space<hbm>> -> memref<128x64xf32, #tpu.memory_space<hbm>>
      %dma_start3A_405 = arith.constant 0 : i32
      %dma_start3A_406 = arith.constant 0 : i32
      %dma_start3A_407 = tpu.memref_slice %arg6[%dma_start3A_396, %dma_start3A_405, %dma_start3A_406] : memref<5x128x64xf32, #tpu.memory_space<vmem>> -> memref<1x128x64xf32, #tpu.memory_space<vmem>>
      %dma_start3A_408 = tpu.memref_squeeze %dma_start3A_407 : memref<1x128x64xf32, #tpu.memory_space<vmem>> -> memref<128x64xf32, #tpu.memory_space<vmem>>
      tpu.enqueue_dma source(%dma_start3A_408 : memref<128x64xf32, #tpu.memory_space<vmem>>) target(%dma_start3A_404 : memref<128x64xf32, #tpu.memory_space<hbm>>) target_semaphore(%arg15 : memref<!tpu.dma_semaphore, #tpu.memory_space<semaphore_mem>>)
      %dma_wait3A_409 = arith.constant 0 : i32
      %dma_wait3A_410 = arith.constant 4 : i32
      %dma_wait3A_411 = arith.constant 0 : i32
      %dma_wait3A_412 = arith.constant 0 : i32
      %dma_wait3A_413 = tpu.memref_slice %arg6[%dma_wait3A_410, %dma_wait3A_411, %dma_wait3A_412] : memref<5x128x64xf32, #tpu.memory_space<vmem>> -> memref<1x128x64xf32, #tpu.memory_space<vmem>>
      %dma_wait3A_414 = tpu.memref_squeeze %dma_wait3A_413 : memref<1x128x64xf32, #tpu.memory_space<vmem>> -> memref<128x64xf32, #tpu.memory_space<vmem>>
      %dma_wait3A_415 = arith.constant 0 : i32
      %dma_wait3A_416 = tpu.memref_slice %arg5[%dma_wait3A_409, %dma_wait3A_415] : memref<50x128xi32, #tpu.memory_space<vmem>> -> memref<1x128xi32, #tpu.memory_space<vmem>>
      %dma_wait3A_417 = tpu.memref_squeeze %dma_wait3A_416 : memref<1x128xi32, #tpu.memory_space<vmem>> -> memref<128xi32, #tpu.memory_space<vmem>>
      %dma_wait3A_418 = arith.constant 0 : i32
      %dma_wait3A_419 = arith.constant 0 : i32
      %dma_wait3A_420 = tpu.memref_slice %arg3[%dma_wait3A_418, %dma_wait3A_419] : memref<1000000x64xf32, #tpu.memory_space<hbm>> -> memref<1000000x64xf32, #tpu.memory_space<hbm>>
      tpu.wait_indirect_dma semaphore(%arg11 : memref<!tpu.dma_semaphore, #tpu.memory_space<semaphore_mem>>) src(%dma_wait3A_420 : memref<1000000x64xf32, #tpu.memory_space<hbm>>) dst(%dma_wait3A_414 : memref<128x64xf32, #tpu.memory_space<vmem>>)
      %add3A_421 = arith.constant 4 : i32
      %add3A_422 = arith.addi %mul3A_288, %add3A_421 : i32
      %add3A_423 = arith.addi %mul3A_2, %add3A_422 : i32
      %mul3A_424 = arith.constant 128 : i32
      %mul3A_425 = arith.muli %add3A_423, %mul3A_424 : i32
      %dma_start3A_426 = arith.constant 4 : i32
      %dma_start3A_427 = arith.constant 0 : i32
      %dma_start3A_428 = arith.constant 0 : i32
      %dma_start3A_429 = tpu.memref_slice %arg6[%dma_start3A_426, %dma_start3A_427, %dma_start3A_428] : memref<5x128x64xf32, #tpu.memory_space<vmem>> -> memref<1x128x64xf32, #tpu.memory_space<vmem>>
      %dma_start3A_430 = tpu.memref_squeeze %dma_start3A_429 : memref<1x128x64xf32, #tpu.memory_space<vmem>> -> memref<128x64xf32, #tpu.memory_space<vmem>>
      %dma_start3A_431 = arith.constant 0 : i32
      %dma_start3A_432 = tpu.memref_slice %arg4[%mul3A_425, %dma_start3A_431] : memref<204800x64xf32, #tpu.memory_space<hbm>> -> memref<128x64xf32, #tpu.memory_space<hbm>>
      %dma_start3A_433 = arith.constant 0 : i32
      %dma_start3A_434 = tpu.memref_slice %arg4[%mul3A_425, %dma_start3A_433] : memref<204800x64xf32, #tpu.memory_space<hbm>> -> memref<128x64xf32, #tpu.memory_space<hbm>>
      %dma_start3A_435 = arith.constant 0 : i32
      %dma_start3A_436 = arith.constant 0 : i32
      %dma_start3A_437 = tpu.memref_slice %arg6[%dma_start3A_426, %dma_start3A_435, %dma_start3A_436] : memref<5x128x64xf32, #tpu.memory_space<vmem>> -> memref<1x128x64xf32, #tpu.memory_space<vmem>>
      %dma_start3A_438 = tpu.memref_squeeze %dma_start3A_437 : memref<1x128x64xf32, #tpu.memory_space<vmem>> -> memref<128x64xf32, #tpu.memory_space<vmem>>
      tpu.enqueue_dma source(%dma_start3A_438 : memref<128x64xf32, #tpu.memory_space<vmem>>) target(%dma_start3A_434 : memref<128x64xf32, #tpu.memory_space<hbm>>) target_semaphore(%arg16 : memref<!tpu.dma_semaphore, #tpu.memory_space<semaphore_mem>>)
      %dma_wait3A_439 = arith.constant 0 : i32
      %dma_wait3A_440 = arith.constant 0 : i32
      %dma_wait3A_441 = arith.constant 0 : i32
      %dma_wait3A_442 = tpu.memref_slice %arg6[%dma_wait3A_439, %dma_wait3A_440, %dma_wait3A_441] : memref<5x128x64xf32, #tpu.memory_space<vmem>> -> memref<1x128x64xf32, #tpu.memory_space<vmem>>
      %dma_wait3A_443 = tpu.memref_squeeze %dma_wait3A_442 : memref<1x128x64xf32, #tpu.memory_space<vmem>> -> memref<128x64xf32, #tpu.memory_space<vmem>>
      %dma_wait3A_444 = arith.constant 0 : i32
      %dma_wait3A_445 = arith.constant 0 : i32
      %dma_wait3A_446 = tpu.memref_slice %arg4[%dma_wait3A_444, %dma_wait3A_445] : memref<204800x64xf32, #tpu.memory_space<hbm>> -> memref<128x64xf32, #tpu.memory_space<hbm>>
      %dma_wait3A_447 = arith.constant 0 : i32
      %dma_wait3A_448 = arith.constant 0 : i32
      %dma_wait3A_449 = tpu.memref_slice %arg4[%dma_wait3A_447, %dma_wait3A_448] : memref<204800x64xf32, #tpu.memory_space<hbm>> -> memref<128x64xf32, #tpu.memory_space<hbm>>
      %dma_wait3A_450 = arith.constant 0 : i32
      %dma_wait3A_451 = arith.constant 0 : i32
      %dma_wait3A_452 = tpu.memref_slice %arg6[%dma_wait3A_439, %dma_wait3A_450, %dma_wait3A_451] : memref<5x128x64xf32, #tpu.memory_space<vmem>> -> memref<1x128x64xf32, #tpu.memory_space<vmem>>
      %dma_wait3A_453 = tpu.memref_squeeze %dma_wait3A_452 : memref<1x128x64xf32, #tpu.memory_space<vmem>> -> memref<128x64xf32, #tpu.memory_space<vmem>>
      tpu.wait_dma2 semaphore(%arg12 : memref<!tpu.dma_semaphore, #tpu.memory_space<semaphore_mem>>) src(%dma_wait3A_453 : memref<128x64xf32, #tpu.memory_space<vmem>>) dst(%dma_wait3A_449 : memref<128x64xf32, #tpu.memory_space<hbm>>)
      %add3A_454 = arith.constant 5 : i32
      %add3A_455 = arith.addi %mul3A_288, %add3A_454 : i32
      %add3A_456 = arith.constant 0 : i32
      %add3A_457 = arith.addi %add3A_455, %add3A_456 : i32
      %dma_start3A_458 = arith.constant 0 : i32
      %dma_start3A_459 = arith.constant 0 : i32
      %dma_start3A_460 = arith.constant 0 : i32
      %dma_start3A_461 = tpu.memref_slice %arg6[%dma_start3A_458, %dma_start3A_459, %dma_start3A_460] : memref<5x128x64xf32, #tpu.memory_space<vmem>> -> memref<1x128x64xf32, #tpu.memory_space<vmem>>
      %dma_start3A_462 = tpu.memref_squeeze %dma_start3A_461 : memref<1x128x64xf32, #tpu.memory_space<vmem>> -> memref<128x64xf32, #tpu.memory_space<vmem>>
      %dma_start3A_463 = arith.constant 0 : i32
      %dma_start3A_464 = tpu.memref_slice %arg5[%add3A_457, %dma_start3A_463] : memref<50x128xi32, #tpu.memory_space<vmem>> -> memref<1x128xi32, #tpu.memory_space<vmem>>
      %dma_start3A_465 = tpu.memref_squeeze %dma_start3A_464 : memref<1x128xi32, #tpu.memory_space<vmem>> -> memref<128xi32, #tpu.memory_space<vmem>>
      %dma_start3A_466 = arith.constant 0 : i32
      %dma_start3A_467 = arith.constant 0 : i32
      %dma_start3A_468 = tpu.memref_slice %arg3[%dma_start3A_466, %dma_start3A_467] : memref<1000000x64xf32, #tpu.memory_space<hbm>> -> memref<1000000x64xf32, #tpu.memory_space<hbm>>
      tpu.enqueue_indirect_dma source(%dma_start3A_468 : memref<1000000x64xf32, #tpu.memory_space<hbm>>) target(%dma_start3A_462 : memref<128x64xf32, #tpu.memory_space<vmem>>) offsets(%dma_start3A_465 : memref<128xi32, #tpu.memory_space<vmem>>) semaphore(%arg7 : memref<!tpu.dma_semaphore, #tpu.memory_space<semaphore_mem>>)
      %dma_wait3A_469 = arith.constant 1 : i32
      %dma_wait3A_470 = arith.constant 0 : i32
      %dma_wait3A_471 = arith.constant 0 : i32
      %dma_wait3A_472 = tpu.memref_slice %arg6[%dma_wait3A_469, %dma_wait3A_470, %dma_wait3A_471] : memref<5x128x64xf32, #tpu.memory_space<vmem>> -> memref<1x128x64xf32, #tpu.memory_space<vmem>>
      %dma_wait3A_473 = tpu.memref_squeeze %dma_wait3A_472 : memref<1x128x64xf32, #tpu.memory_space<vmem>> -> memref<128x64xf32, #tpu.memory_space<vmem>>
      %dma_wait3A_474 = arith.constant 0 : i32
      %dma_wait3A_475 = arith.constant 0 : i32
      %dma_wait3A_476 = tpu.memref_slice %arg4[%dma_wait3A_474, %dma_wait3A_475] : memref<204800x64xf32, #tpu.memory_space<hbm>> -> memref<128x64xf32, #tpu.memory_space<hbm>>
      %dma_wait3A_477 = arith.constant 0 : i32
      %dma_wait3A_478 = arith.constant 0 : i32
      %dma_wait3A_479 = tpu.memref_slice %arg4[%dma_wait3A_477, %dma_wait3A_478] : memref<204800x64xf32, #tpu.memory_space<hbm>> -> memref<128x64xf32, #tpu.memory_space<hbm>>
      %dma_wait3A_480 = arith.constant 0 : i32
      %dma_wait3A_481 = arith.constant 0 : i32
      %dma_wait3A_482 = tpu.memref_slice %arg6[%dma_wait3A_469, %dma_wait3A_480, %dma_wait3A_481] : memref<5x128x64xf32, #tpu.memory_space<vmem>> -> memref<1x128x64xf32, #tpu.memory_space<vmem>>
      %dma_wait3A_483 = tpu.memref_squeeze %dma_wait3A_482 : memref<1x128x64xf32, #tpu.memory_space<vmem>> -> memref<128x64xf32, #tpu.memory_space<vmem>>
      tpu.wait_dma2 semaphore(%arg13 : memref<!tpu.dma_semaphore, #tpu.memory_space<semaphore_mem>>) src(%dma_wait3A_483 : memref<128x64xf32, #tpu.memory_space<vmem>>) dst(%dma_wait3A_479 : memref<128x64xf32, #tpu.memory_space<hbm>>)
      %add3A_484 = arith.constant 5 : i32
      %add3A_485 = arith.addi %mul3A_288, %add3A_484 : i32
      %add3A_486 = arith.constant 1 : i32
      %add3A_487 = arith.addi %add3A_485, %add3A_486 : i32
      %dma_start3A_488 = arith.constant 1 : i32
      %dma_start3A_489 = arith.constant 0 : i32
      %dma_start3A_490 = arith.constant 0 : i32
      %dma_start3A_491 = tpu.memref_slice %arg6[%dma_start3A_488, %dma_start3A_489, %dma_start3A_490] : memref<5x128x64xf32, #tpu.memory_space<vmem>> -> memref<1x128x64xf32, #tpu.memory_space<vmem>>
      %dma_start3A_492 = tpu.memref_squeeze %dma_start3A_491 : memref<1x128x64xf32, #tpu.memory_space<vmem>> -> memref<128x64xf32, #tpu.memory_space<vmem>>
      %dma_start3A_493 = arith.constant 0 : i32
      %dma_start3A_494 = tpu.memref_slice %arg5[%add3A_487, %dma_start3A_493] : memref<50x128xi32, #tpu.memory_space<vmem>> -> memref<1x128xi32, #tpu.memory_space<vmem>>
      %dma_start3A_495 = tpu.memref_squeeze %dma_start3A_494 : memref<1x128xi32, #tpu.memory_space<vmem>> -> memref<128xi32, #tpu.memory_space<vmem>>
      %dma_start3A_496 = arith.constant 0 : i32
      %dma_start3A_497 = arith.constant 0 : i32
      %dma_start3A_498 = tpu.memref_slice %arg3[%dma_start3A_496, %dma_start3A_497] : memref<1000000x64xf32, #tpu.memory_space<hbm>> -> memref<1000000x64xf32, #tpu.memory_space<hbm>>
      tpu.enqueue_indirect_dma source(%dma_start3A_498 : memref<1000000x64xf32, #tpu.memory_space<hbm>>) target(%dma_start3A_492 : memref<128x64xf32, #tpu.memory_space<vmem>>) offsets(%dma_start3A_495 : memref<128xi32, #tpu.memory_space<vmem>>) semaphore(%arg8 : memref<!tpu.dma_semaphore, #tpu.memory_space<semaphore_mem>>)
      %dma_wait3A_499 = arith.constant 2 : i32
      %dma_wait3A_500 = arith.constant 0 : i32
      %dma_wait3A_501 = arith.constant 0 : i32
      %dma_wait3A_502 = tpu.memref_slice %arg6[%dma_wait3A_499, %dma_wait3A_500, %dma_wait3A_501] : memref<5x128x64xf32, #tpu.memory_space<vmem>> -> memref<1x128x64xf32, #tpu.memory_space<vmem>>
      %dma_wait3A_503 = tpu.memref_squeeze %dma_wait3A_502 : memref<1x128x64xf32, #tpu.memory_space<vmem>> -> memref<128x64xf32, #tpu.memory_space<vmem>>
      %dma_wait3A_504 = arith.constant 0 : i32
      %dma_wait3A_505 = arith.constant 0 : i32
      %dma_wait3A_506 = tpu.memref_slice %arg4[%dma_wait3A_504, %dma_wait3A_505] : memref<204800x64xf32, #tpu.memory_space<hbm>> -> memref<128x64xf32, #tpu.memory_space<hbm>>
      %dma_wait3A_507 = arith.constant 0 : i32
      %dma_wait3A_508 = arith.constant 0 : i32
      %dma_wait3A_509 = tpu.memref_slice %arg4[%dma_wait3A_507, %dma_wait3A_508] : memref<204800x64xf32, #tpu.memory_space<hbm>> -> memref<128x64xf32, #tpu.memory_space<hbm>>
      %dma_wait3A_510 = arith.constant 0 : i32
      %dma_wait3A_511 = arith.constant 0 : i32
      %dma_wait3A_512 = tpu.memref_slice %arg6[%dma_wait3A_499, %dma_wait3A_510, %dma_wait3A_511] : memref<5x128x64xf32, #tpu.memory_space<vmem>> -> memref<1x128x64xf32, #tpu.memory_space<vmem>>
      %dma_wait3A_513 = tpu.memref_squeeze %dma_wait3A_512 : memref<1x128x64xf32, #tpu.memory_space<vmem>> -> memref<128x64xf32, #tpu.memory_space<vmem>>
      tpu.wait_dma2 semaphore(%arg14 : memref<!tpu.dma_semaphore, #tpu.memory_space<semaphore_mem>>) src(%dma_wait3A_513 : memref<128x64xf32, #tpu.memory_space<vmem>>) dst(%dma_wait3A_509 : memref<128x64xf32, #tpu.memory_space<hbm>>)
      %add3A_514 = arith.constant 5 : i32
      %add3A_515 = arith.addi %mul3A_288, %add3A_514 : i32
      %add3A_516 = arith.constant 2 : i32
      %add3A_517 = arith.addi %add3A_515, %add3A_516 : i32
      %dma_start3A_518 = arith.constant 2 : i32
      %dma_start3A_519 = arith.constant 0 : i32
      %dma_start3A_520 = arith.constant 0 : i32
      %dma_start3A_521 = tpu.memref_slice %arg6[%dma_start3A_518, %dma_start3A_519, %dma_start3A_520] : memref<5x128x64xf32, #tpu.memory_space<vmem>> -> memref<1x128x64xf32, #tpu.memory_space<vmem>>
      %dma_start3A_522 = tpu.memref_squeeze %dma_start3A_521 : memref<1x128x64xf32, #tpu.memory_space<vmem>> -> memref<128x64xf32, #tpu.memory_space<vmem>>
      %dma_start3A_523 = arith.constant 0 : i32
      %dma_start3A_524 = tpu.memref_slice %arg5[%add3A_517, %dma_start3A_523] : memref<50x128xi32, #tpu.memory_space<vmem>> -> memref<1x128xi32, #tpu.memory_space<vmem>>
      %dma_start3A_525 = tpu.memref_squeeze %dma_start3A_524 : memref<1x128xi32, #tpu.memory_space<vmem>> -> memref<128xi32, #tpu.memory_space<vmem>>
      %dma_start3A_526 = arith.constant 0 : i32
      %dma_start3A_527 = arith.constant 0 : i32
      %dma_start3A_528 = tpu.memref_slice %arg3[%dma_start3A_526, %dma_start3A_527] : memref<1000000x64xf32, #tpu.memory_space<hbm>> -> memref<1000000x64xf32, #tpu.memory_space<hbm>>
      tpu.enqueue_indirect_dma source(%dma_start3A_528 : memref<1000000x64xf32, #tpu.memory_space<hbm>>) target(%dma_start3A_522 : memref<128x64xf32, #tpu.memory_space<vmem>>) offsets(%dma_start3A_525 : memref<128xi32, #tpu.memory_space<vmem>>) semaphore(%arg9 : memref<!tpu.dma_semaphore, #tpu.memory_space<semaphore_mem>>)
      %dma_wait3A_529 = arith.constant 3 : i32
      %dma_wait3A_530 = arith.constant 0 : i32
      %dma_wait3A_531 = arith.constant 0 : i32
      %dma_wait3A_532 = tpu.memref_slice %arg6[%dma_wait3A_529, %dma_wait3A_530, %dma_wait3A_531] : memref<5x128x64xf32, #tpu.memory_space<vmem>> -> memref<1x128x64xf32, #tpu.memory_space<vmem>>
      %dma_wait3A_533 = tpu.memref_squeeze %dma_wait3A_532 : memref<1x128x64xf32, #tpu.memory_space<vmem>> -> memref<128x64xf32, #tpu.memory_space<vmem>>
      %dma_wait3A_534 = arith.constant 0 : i32
      %dma_wait3A_535 = arith.constant 0 : i32
      %dma_wait3A_536 = tpu.memref_slice %arg4[%dma_wait3A_534, %dma_wait3A_535] : memref<204800x64xf32, #tpu.memory_space<hbm>> -> memref<128x64xf32, #tpu.memory_space<hbm>>
      %dma_wait3A_537 = arith.constant 0 : i32
      %dma_wait3A_538 = arith.constant 0 : i32
      %dma_wait3A_539 = tpu.memref_slice %arg4[%dma_wait3A_537, %dma_wait3A_538] : memref<204800x64xf32, #tpu.memory_space<hbm>> -> memref<128x64xf32, #tpu.memory_space<hbm>>
      %dma_wait3A_540 = arith.constant 0 : i32
      %dma_wait3A_541 = arith.constant 0 : i32
      %dma_wait3A_542 = tpu.memref_slice %arg6[%dma_wait3A_529, %dma_wait3A_540, %dma_wait3A_541] : memref<5x128x64xf32, #tpu.memory_space<vmem>> -> memref<1x128x64xf32, #tpu.memory_space<vmem>>
      %dma_wait3A_543 = tpu.memref_squeeze %dma_wait3A_542 : memref<1x128x64xf32, #tpu.memory_space<vmem>> -> memref<128x64xf32, #tpu.memory_space<vmem>>
      tpu.wait_dma2 semaphore(%arg15 : memref<!tpu.dma_semaphore, #tpu.memory_space<semaphore_mem>>) src(%dma_wait3A_543 : memref<128x64xf32, #tpu.memory_space<vmem>>) dst(%dma_wait3A_539 : memref<128x64xf32, #tpu.memory_space<hbm>>)
      %add3A_544 = arith.constant 5 : i32
      %add3A_545 = arith.addi %mul3A_288, %add3A_544 : i32
      %add3A_546 = arith.constant 3 : i32
      %add3A_547 = arith.addi %add3A_545, %add3A_546 : i32
      %dma_start3A_548 = arith.constant 3 : i32
      %dma_start3A_549 = arith.constant 0 : i32
      %dma_start3A_550 = arith.constant 0 : i32
      %dma_start3A_551 = tpu.memref_slice %arg6[%dma_start3A_548, %dma_start3A_549, %dma_start3A_550] : memref<5x128x64xf32, #tpu.memory_space<vmem>> -> memref<1x128x64xf32, #tpu.memory_space<vmem>>
      %dma_start3A_552 = tpu.memref_squeeze %dma_start3A_551 : memref<1x128x64xf32, #tpu.memory_space<vmem>> -> memref<128x64xf32, #tpu.memory_space<vmem>>
      %dma_start3A_553 = arith.constant 0 : i32
      %dma_start3A_554 = tpu.memref_slice %arg5[%add3A_547, %dma_start3A_553] : memref<50x128xi32, #tpu.memory_space<vmem>> -> memref<1x128xi32, #tpu.memory_space<vmem>>
      %dma_start3A_555 = tpu.memref_squeeze %dma_start3A_554 : memref<1x128xi32, #tpu.memory_space<vmem>> -> memref<128xi32, #tpu.memory_space<vmem>>
      %dma_start3A_556 = arith.constant 0 : i32
      %dma_start3A_557 = arith.constant 0 : i32
      %dma_start3A_558 = tpu.memref_slice %arg3[%dma_start3A_556, %dma_start3A_557] : memref<1000000x64xf32, #tpu.memory_space<hbm>> -> memref<1000000x64xf32, #tpu.memory_space<hbm>>
      tpu.enqueue_indirect_dma source(%dma_start3A_558 : memref<1000000x64xf32, #tpu.memory_space<hbm>>) target(%dma_start3A_552 : memref<128x64xf32, #tpu.memory_space<vmem>>) offsets(%dma_start3A_555 : memref<128xi32, #tpu.memory_space<vmem>>) semaphore(%arg10 : memref<!tpu.dma_semaphore, #tpu.memory_space<semaphore_mem>>)
      %dma_wait3A_559 = arith.constant 4 : i32
      %dma_wait3A_560 = arith.constant 0 : i32
      %dma_wait3A_561 = arith.constant 0 : i32
      %dma_wait3A_562 = tpu.memref_slice %arg6[%dma_wait3A_559, %dma_wait3A_560, %dma_wait3A_561] : memref<5x128x64xf32, #tpu.memory_space<vmem>> -> memref<1x128x64xf32, #tpu.memory_space<vmem>>
      %dma_wait3A_563 = tpu.memref_squeeze %dma_wait3A_562 : memref<1x128x64xf32, #tpu.memory_space<vmem>> -> memref<128x64xf32, #tpu.memory_space<vmem>>
      %dma_wait3A_564 = arith.constant 0 : i32
      %dma_wait3A_565 = arith.constant 0 : i32
      %dma_wait3A_566 = tpu.memref_slice %arg4[%dma_wait3A_564, %dma_wait3A_565] : memref<204800x64xf32, #tpu.memory_space<hbm>> -> memref<128x64xf32, #tpu.memory_space<hbm>>
      %dma_wait3A_567 = arith.constant 0 : i32
      %dma_wait3A_568 = arith.constant 0 : i32
      %dma_wait3A_569 = tpu.memref_slice %arg4[%dma_wait3A_567, %dma_wait3A_568] : memref<204800x64xf32, #tpu.memory_space<hbm>> -> memref<128x64xf32, #tpu.memory_space<hbm>>
      %dma_wait3A_570 = arith.constant 0 : i32
      %dma_wait3A_571 = arith.constant 0 : i32
      %dma_wait3A_572 = tpu.memref_slice %arg6[%dma_wait3A_559, %dma_wait3A_570, %dma_wait3A_571] : memref<5x128x64xf32, #tpu.memory_space<vmem>> -> memref<1x128x64xf32, #tpu.memory_space<vmem>>
      %dma_wait3A_573 = tpu.memref_squeeze %dma_wait3A_572 : memref<1x128x64xf32, #tpu.memory_space<vmem>> -> memref<128x64xf32, #tpu.memory_space<vmem>>
      tpu.wait_dma2 semaphore(%arg16 : memref<!tpu.dma_semaphore, #tpu.memory_space<semaphore_mem>>) src(%dma_wait3A_573 : memref<128x64xf32, #tpu.memory_space<vmem>>) dst(%dma_wait3A_569 : memref<128x64xf32, #tpu.memory_space<hbm>>)
      %add3A_574 = arith.constant 5 : i32
      %add3A_575 = arith.addi %mul3A_288, %add3A_574 : i32
      %add3A_576 = arith.constant 4 : i32
      %add3A_577 = arith.addi %add3A_575, %add3A_576 : i32
      %dma_start3A_578 = arith.constant 4 : i32
      %dma_start3A_579 = arith.constant 0 : i32
      %dma_start3A_580 = arith.constant 0 : i32
      %dma_start3A_581 = tpu.memref_slice %arg6[%dma_start3A_578, %dma_start3A_579, %dma_start3A_580] : memref<5x128x64xf32, #tpu.memory_space<vmem>> -> memref<1x128x64xf32, #tpu.memory_space<vmem>>
      %dma_start3A_582 = tpu.memref_squeeze %dma_start3A_581 : memref<1x128x64xf32, #tpu.memory_space<vmem>> -> memref<128x64xf32, #tpu.memory_space<vmem>>
      %dma_start3A_583 = arith.constant 0 : i32
      %dma_start3A_584 = tpu.memref_slice %arg5[%add3A_577, %dma_start3A_583] : memref<50x128xi32, #tpu.memory_space<vmem>> -> memref<1x128xi32, #tpu.memory_space<vmem>>
      %dma_start3A_585 = tpu.memref_squeeze %dma_start3A_584 : memref<1x128xi32, #tpu.memory_space<vmem>> -> memref<128xi32, #tpu.memory_space<vmem>>
      %dma_start3A_586 = arith.constant 0 : i32
      %dma_start3A_587 = arith.constant 0 : i32
      %dma_start3A_588 = tpu.memref_slice %arg3[%dma_start3A_586, %dma_start3A_587] : memref<1000000x64xf32, #tpu.memory_space<hbm>> -> memref<1000000x64xf32, #tpu.memory_space<hbm>>
      tpu.enqueue_indirect_dma source(%dma_start3A_588 : memref<1000000x64xf32, #tpu.memory_space<hbm>>) target(%dma_start3A_582 : memref<128x64xf32, #tpu.memory_space<vmem>>) offsets(%dma_start3A_585 : memref<128xi32, #tpu.memory_space<vmem>>) semaphore(%arg11 : memref<!tpu.dma_semaphore, #tpu.memory_space<semaphore_mem>>)
    }
    %scan3A_66 = arith.constant 9 : i32
    %dma_wait3A = arith.constant 0 : i32
    %dma_wait3A_67 = arith.constant 0 : i32
    %dma_wait3A_68 = arith.constant 0 : i32
    %dma_wait3A_69 = arith.constant 0 : i32
    %dma_wait3A_70 = tpu.memref_slice %arg6[%dma_wait3A_67, %dma_wait3A_68, %dma_wait3A_69] : memref<5x128x64xf32, #tpu.memory_space<vmem>> -> memref<1x128x64xf32, #tpu.memory_space<vmem>>
    %dma_wait3A_71 = tpu.memref_squeeze %dma_wait3A_70 : memref<1x128x64xf32, #tpu.memory_space<vmem>> -> memref<128x64xf32, #tpu.memory_space<vmem>>
    %dma_wait3A_72 = arith.constant 0 : i32
    %dma_wait3A_73 = tpu.memref_slice %arg5[%dma_wait3A, %dma_wait3A_72] : memref<50x128xi32, #tpu.memory_space<vmem>> -> memref<1x128xi32, #tpu.memory_space<vmem>>
    %dma_wait3A_74 = tpu.memref_squeeze %dma_wait3A_73 : memref<1x128xi32, #tpu.memory_space<vmem>> -> memref<128xi32, #tpu.memory_space<vmem>>
    %dma_wait3A_75 = arith.constant 0 : i32
    %dma_wait3A_76 = arith.constant 0 : i32
    %dma_wait3A_77 = tpu.memref_slice %arg3[%dma_wait3A_75, %dma_wait3A_76] : memref<1000000x64xf32, #tpu.memory_space<hbm>> -> memref<1000000x64xf32, #tpu.memory_space<hbm>>
    tpu.wait_indirect_dma semaphore(%arg7 : memref<!tpu.dma_semaphore, #tpu.memory_space<semaphore_mem>>) src(%dma_wait3A_77 : memref<1000000x64xf32, #tpu.memory_space<hbm>>) dst(%dma_wait3A_71 : memref<128x64xf32, #tpu.memory_space<vmem>>)
    %add3A_78 = arith.constant 45 : i32
    %add3A_79 = arith.addi %mul3A_2, %add3A_78 : i32
    %mul3A_80 = arith.constant 128 : i32
    %mul3A_81 = arith.muli %add3A_79, %mul3A_80 : i32
    %dma_start3A_82 = arith.constant 0 : i32
    %dma_start3A_83 = arith.constant 0 : i32
    %dma_start3A_84 = arith.constant 0 : i32
    %dma_start3A_85 = tpu.memref_slice %arg6[%dma_start3A_82, %dma_start3A_83, %dma_start3A_84] : memref<5x128x64xf32, #tpu.memory_space<vmem>> -> memref<1x128x64xf32, #tpu.memory_space<vmem>>
    %dma_start3A_86 = tpu.memref_squeeze %dma_start3A_85 : memref<1x128x64xf32, #tpu.memory_space<vmem>> -> memref<128x64xf32, #tpu.memory_space<vmem>>
    %dma_start3A_87 = arith.constant 0 : i32
    %dma_start3A_88 = tpu.memref_slice %arg4[%mul3A_81, %dma_start3A_87] : memref<204800x64xf32, #tpu.memory_space<hbm>> -> memref<128x64xf32, #tpu.memory_space<hbm>>
    %dma_start3A_89 = arith.constant 0 : i32
    %dma_start3A_90 = tpu.memref_slice %arg4[%mul3A_81, %dma_start3A_89] : memref<204800x64xf32, #tpu.memory_space<hbm>> -> memref<128x64xf32, #tpu.memory_space<hbm>>
    %dma_start3A_91 = arith.constant 0 : i32
    %dma_start3A_92 = arith.constant 0 : i32
    %dma_start3A_93 = tpu.memref_slice %arg6[%dma_start3A_82, %dma_start3A_91, %dma_start3A_92] : memref<5x128x64xf32, #tpu.memory_space<vmem>> -> memref<1x128x64xf32, #tpu.memory_space<vmem>>
    %dma_start3A_94 = tpu.memref_squeeze %dma_start3A_93 : memref<1x128x64xf32, #tpu.memory_space<vmem>> -> memref<128x64xf32, #tpu.memory_space<vmem>>
    tpu.enqueue_dma source(%dma_start3A_94 : memref<128x64xf32, #tpu.memory_space<vmem>>) target(%dma_start3A_90 : memref<128x64xf32, #tpu.memory_space<hbm>>) target_semaphore(%arg12 : memref<!tpu.dma_semaphore, #tpu.memory_space<semaphore_mem>>)
    %dma_wait3A_95 = arith.constant 0 : i32
    %dma_wait3A_96 = arith.constant 1 : i32
    %dma_wait3A_97 = arith.constant 0 : i32
    %dma_wait3A_98 = arith.constant 0 : i32
    %dma_wait3A_99 = tpu.memref_slice %arg6[%dma_wait3A_96, %dma_wait3A_97, %dma_wait3A_98] : memref<5x128x64xf32, #tpu.memory_space<vmem>> -> memref<1x128x64xf32, #tpu.memory_space<vmem>>
    %dma_wait3A_100 = tpu.memref_squeeze %dma_wait3A_99 : memref<1x128x64xf32, #tpu.memory_space<vmem>> -> memref<128x64xf32, #tpu.memory_space<vmem>>
    %dma_wait3A_101 = arith.constant 0 : i32
    %dma_wait3A_102 = tpu.memref_slice %arg5[%dma_wait3A_95, %dma_wait3A_101] : memref<50x128xi32, #tpu.memory_space<vmem>> -> memref<1x128xi32, #tpu.memory_space<vmem>>
    %dma_wait3A_103 = tpu.memref_squeeze %dma_wait3A_102 : memref<1x128xi32, #tpu.memory_space<vmem>> -> memref<128xi32, #tpu.memory_space<vmem>>
    %dma_wait3A_104 = arith.constant 0 : i32
    %dma_wait3A_105 = arith.constant 0 : i32
    %dma_wait3A_106 = tpu.memref_slice %arg3[%dma_wait3A_104, %dma_wait3A_105] : memref<1000000x64xf32, #tpu.memory_space<hbm>> -> memref<1000000x64xf32, #tpu.memory_space<hbm>>
    tpu.wait_indirect_dma semaphore(%arg8 : memref<!tpu.dma_semaphore, #tpu.memory_space<semaphore_mem>>) src(%dma_wait3A_106 : memref<1000000x64xf32, #tpu.memory_space<hbm>>) dst(%dma_wait3A_100 : memref<128x64xf32, #tpu.memory_space<vmem>>)
    %add3A_107 = arith.constant 46 : i32
    %add3A_108 = arith.addi %mul3A_2, %add3A_107 : i32
    %mul3A_109 = arith.constant 128 : i32
    %mul3A_110 = arith.muli %add3A_108, %mul3A_109 : i32
    %dma_start3A_111 = arith.constant 1 : i32
    %dma_start3A_112 = arith.constant 0 : i32
    %dma_start3A_113 = arith.constant 0 : i32
    %dma_start3A_114 = tpu.memref_slice %arg6[%dma_start3A_111, %dma_start3A_112, %dma_start3A_113] : memref<5x128x64xf32, #tpu.memory_space<vmem>> -> memref<1x128x64xf32, #tpu.memory_space<vmem>>
    %dma_start3A_115 = tpu.memref_squeeze %dma_start3A_114 : memref<1x128x64xf32, #tpu.memory_space<vmem>> -> memref<128x64xf32, #tpu.memory_space<vmem>>
    %dma_start3A_116 = arith.constant 0 : i32
    %dma_start3A_117 = tpu.memref_slice %arg4[%mul3A_110, %dma_start3A_116] : memref<204800x64xf32, #tpu.memory_space<hbm>> -> memref<128x64xf32, #tpu.memory_space<hbm>>
    %dma_start3A_118 = arith.constant 0 : i32
    %dma_start3A_119 = tpu.memref_slice %arg4[%mul3A_110, %dma_start3A_118] : memref<204800x64xf32, #tpu.memory_space<hbm>> -> memref<128x64xf32, #tpu.memory_space<hbm>>
    %dma_start3A_120 = arith.constant 0 : i32
    %dma_start3A_121 = arith.constant 0 : i32
    %dma_start3A_122 = tpu.memref_slice %arg6[%dma_start3A_111, %dma_start3A_120, %dma_start3A_121] : memref<5x128x64xf32, #tpu.memory_space<vmem>> -> memref<1x128x64xf32, #tpu.memory_space<vmem>>
    %dma_start3A_123 = tpu.memref_squeeze %dma_start3A_122 : memref<1x128x64xf32, #tpu.memory_space<vmem>> -> memref<128x64xf32, #tpu.memory_space<vmem>>
    tpu.enqueue_dma source(%dma_start3A_123 : memref<128x64xf32, #tpu.memory_space<vmem>>) target(%dma_start3A_119 : memref<128x64xf32, #tpu.memory_space<hbm>>) target_semaphore(%arg13 : memref<!tpu.dma_semaphore, #tpu.memory_space<semaphore_mem>>)
    %dma_wait3A_124 = arith.constant 0 : i32
    %dma_wait3A_125 = arith.constant 2 : i32
    %dma_wait3A_126 = arith.constant 0 : i32
    %dma_wait3A_127 = arith.constant 0 : i32
    %dma_wait3A_128 = tpu.memref_slice %arg6[%dma_wait3A_125, %dma_wait3A_126, %dma_wait3A_127] : memref<5x128x64xf32, #tpu.memory_space<vmem>> -> memref<1x128x64xf32, #tpu.memory_space<vmem>>
    %dma_wait3A_129 = tpu.memref_squeeze %dma_wait3A_128 : memref<1x128x64xf32, #tpu.memory_space<vmem>> -> memref<128x64xf32, #tpu.memory_space<vmem>>
    %dma_wait3A_130 = arith.constant 0 : i32
    %dma_wait3A_131 = tpu.memref_slice %arg5[%dma_wait3A_124, %dma_wait3A_130] : memref<50x128xi32, #tpu.memory_space<vmem>> -> memref<1x128xi32, #tpu.memory_space<vmem>>
    %dma_wait3A_132 = tpu.memref_squeeze %dma_wait3A_131 : memref<1x128xi32, #tpu.memory_space<vmem>> -> memref<128xi32, #tpu.memory_space<vmem>>
    %dma_wait3A_133 = arith.constant 0 : i32
    %dma_wait3A_134 = arith.constant 0 : i32
    %dma_wait3A_135 = tpu.memref_slice %arg3[%dma_wait3A_133, %dma_wait3A_134] : memref<1000000x64xf32, #tpu.memory_space<hbm>> -> memref<1000000x64xf32, #tpu.memory_space<hbm>>
    tpu.wait_indirect_dma semaphore(%arg9 : memref<!tpu.dma_semaphore, #tpu.memory_space<semaphore_mem>>) src(%dma_wait3A_135 : memref<1000000x64xf32, #tpu.memory_space<hbm>>) dst(%dma_wait3A_129 : memref<128x64xf32, #tpu.memory_space<vmem>>)
    %add3A_136 = arith.constant 47 : i32
    %add3A_137 = arith.addi %mul3A_2, %add3A_136 : i32
    %mul3A_138 = arith.constant 128 : i32
    %mul3A_139 = arith.muli %add3A_137, %mul3A_138 : i32
    %dma_start3A_140 = arith.constant 2 : i32
    %dma_start3A_141 = arith.constant 0 : i32
    %dma_start3A_142 = arith.constant 0 : i32
    %dma_start3A_143 = tpu.memref_slice %arg6[%dma_start3A_140, %dma_start3A_141, %dma_start3A_142] : memref<5x128x64xf32, #tpu.memory_space<vmem>> -> memref<1x128x64xf32, #tpu.memory_space<vmem>>
    %dma_start3A_144 = tpu.memref_squeeze %dma_start3A_143 : memref<1x128x64xf32, #tpu.memory_space<vmem>> -> memref<128x64xf32, #tpu.memory_space<vmem>>
    %dma_start3A_145 = arith.constant 0 : i32
    %dma_start3A_146 = tpu.memref_slice %arg4[%mul3A_139, %dma_start3A_145] : memref<204800x64xf32, #tpu.memory_space<hbm>> -> memref<128x64xf32, #tpu.memory_space<hbm>>
    %dma_start3A_147 = arith.constant 0 : i32
    %dma_start3A_148 = tpu.memref_slice %arg4[%mul3A_139, %dma_start3A_147] : memref<204800x64xf32, #tpu.memory_space<hbm>> -> memref<128x64xf32, #tpu.memory_space<hbm>>
    %dma_start3A_149 = arith.constant 0 : i32
    %dma_start3A_150 = arith.constant 0 : i32
    %dma_start3A_151 = tpu.memref_slice %arg6[%dma_start3A_140, %dma_start3A_149, %dma_start3A_150] : memref<5x128x64xf32, #tpu.memory_space<vmem>> -> memref<1x128x64xf32, #tpu.memory_space<vmem>>
    %dma_start3A_152 = tpu.memref_squeeze %dma_start3A_151 : memref<1x128x64xf32, #tpu.memory_space<vmem>> -> memref<128x64xf32, #tpu.memory_space<vmem>>
    tpu.enqueue_dma source(%dma_start3A_152 : memref<128x64xf32, #tpu.memory_space<vmem>>) target(%dma_start3A_148 : memref<128x64xf32, #tpu.memory_space<hbm>>) target_semaphore(%arg14 : memref<!tpu.dma_semaphore, #tpu.memory_space<semaphore_mem>>)
    %dma_wait3A_153 = arith.constant 0 : i32
    %dma_wait3A_154 = arith.constant 3 : i32
    %dma_wait3A_155 = arith.constant 0 : i32
    %dma_wait3A_156 = arith.constant 0 : i32
    %dma_wait3A_157 = tpu.memref_slice %arg6[%dma_wait3A_154, %dma_wait3A_155, %dma_wait3A_156] : memref<5x128x64xf32, #tpu.memory_space<vmem>> -> memref<1x128x64xf32, #tpu.memory_space<vmem>>
    %dma_wait3A_158 = tpu.memref_squeeze %dma_wait3A_157 : memref<1x128x64xf32, #tpu.memory_space<vmem>> -> memref<128x64xf32, #tpu.memory_space<vmem>>
    %dma_wait3A_159 = arith.constant 0 : i32
    %dma_wait3A_160 = tpu.memref_slice %arg5[%dma_wait3A_153, %dma_wait3A_159] : memref<50x128xi32, #tpu.memory_space<vmem>> -> memref<1x128xi32, #tpu.memory_space<vmem>>
    %dma_wait3A_161 = tpu.memref_squeeze %dma_wait3A_160 : memref<1x128xi32, #tpu.memory_space<vmem>> -> memref<128xi32, #tpu.memory_space<vmem>>
    %dma_wait3A_162 = arith.constant 0 : i32
    %dma_wait3A_163 = arith.constant 0 : i32
    %dma_wait3A_164 = tpu.memref_slice %arg3[%dma_wait3A_162, %dma_wait3A_163] : memref<1000000x64xf32, #tpu.memory_space<hbm>> -> memref<1000000x64xf32, #tpu.memory_space<hbm>>
    tpu.wait_indirect_dma semaphore(%arg10 : memref<!tpu.dma_semaphore, #tpu.memory_space<semaphore_mem>>) src(%dma_wait3A_164 : memref<1000000x64xf32, #tpu.memory_space<hbm>>) dst(%dma_wait3A_158 : memref<128x64xf32, #tpu.memory_space<vmem>>)
    %add3A_165 = arith.constant 48 : i32
    %add3A_166 = arith.addi %mul3A_2, %add3A_165 : i32
    %mul3A_167 = arith.constant 128 : i32
    %mul3A_168 = arith.muli %add3A_166, %mul3A_167 : i32
    %dma_start3A_169 = arith.constant 3 : i32
    %dma_start3A_170 = arith.constant 0 : i32
    %dma_start3A_171 = arith.constant 0 : i32
    %dma_start3A_172 = tpu.memref_slice %arg6[%dma_start3A_169, %dma_start3A_170, %dma_start3A_171] : memref<5x128x64xf32, #tpu.memory_space<vmem>> -> memref<1x128x64xf32, #tpu.memory_space<vmem>>
    %dma_start3A_173 = tpu.memref_squeeze %dma_start3A_172 : memref<1x128x64xf32, #tpu.memory_space<vmem>> -> memref<128x64xf32, #tpu.memory_space<vmem>>
    %dma_start3A_174 = arith.constant 0 : i32
    %dma_start3A_175 = tpu.memref_slice %arg4[%mul3A_168, %dma_start3A_174] : memref<204800x64xf32, #tpu.memory_space<hbm>> -> memref<128x64xf32, #tpu.memory_space<hbm>>
    %dma_start3A_176 = arith.constant 0 : i32
    %dma_start3A_177 = tpu.memref_slice %arg4[%mul3A_168, %dma_start3A_176] : memref<204800x64xf32, #tpu.memory_space<hbm>> -> memref<128x64xf32, #tpu.memory_space<hbm>>
    %dma_start3A_178 = arith.constant 0 : i32
    %dma_start3A_179 = arith.constant 0 : i32
    %dma_start3A_180 = tpu.memref_slice %arg6[%dma_start3A_169, %dma_start3A_178, %dma_start3A_179] : memref<5x128x64xf32, #tpu.memory_space<vmem>> -> memref<1x128x64xf32, #tpu.memory_space<vmem>>
    %dma_start3A_181 = tpu.memref_squeeze %dma_start3A_180 : memref<1x128x64xf32, #tpu.memory_space<vmem>> -> memref<128x64xf32, #tpu.memory_space<vmem>>
    tpu.enqueue_dma source(%dma_start3A_181 : memref<128x64xf32, #tpu.memory_space<vmem>>) target(%dma_start3A_177 : memref<128x64xf32, #tpu.memory_space<hbm>>) target_semaphore(%arg15 : memref<!tpu.dma_semaphore, #tpu.memory_space<semaphore_mem>>)
    %dma_wait3A_182 = arith.constant 0 : i32
    %dma_wait3A_183 = arith.constant 4 : i32
    %dma_wait3A_184 = arith.constant 0 : i32
    %dma_wait3A_185 = arith.constant 0 : i32
    %dma_wait3A_186 = tpu.memref_slice %arg6[%dma_wait3A_183, %dma_wait3A_184, %dma_wait3A_185] : memref<5x128x64xf32, #tpu.memory_space<vmem>> -> memref<1x128x64xf32, #tpu.memory_space<vmem>>
    %dma_wait3A_187 = tpu.memref_squeeze %dma_wait3A_186 : memref<1x128x64xf32, #tpu.memory_space<vmem>> -> memref<128x64xf32, #tpu.memory_space<vmem>>
    %dma_wait3A_188 = arith.constant 0 : i32
    %dma_wait3A_189 = tpu.memref_slice %arg5[%dma_wait3A_182, %dma_wait3A_188] : memref<50x128xi32, #tpu.memory_space<vmem>> -> memref<1x128xi32, #tpu.memory_space<vmem>>
    %dma_wait3A_190 = tpu.memref_squeeze %dma_wait3A_189 : memref<1x128xi32, #tpu.memory_space<vmem>> -> memref<128xi32, #tpu.memory_space<vmem>>
    %dma_wait3A_191 = arith.constant 0 : i32
    %dma_wait3A_192 = arith.constant 0 : i32
    %dma_wait3A_193 = tpu.memref_slice %arg3[%dma_wait3A_191, %dma_wait3A_192] : memref<1000000x64xf32, #tpu.memory_space<hbm>> -> memref<1000000x64xf32, #tpu.memory_space<hbm>>
    tpu.wait_indirect_dma semaphore(%arg11 : memref<!tpu.dma_semaphore, #tpu.memory_space<semaphore_mem>>) src(%dma_wait3A_193 : memref<1000000x64xf32, #tpu.memory_space<hbm>>) dst(%dma_wait3A_187 : memref<128x64xf32, #tpu.memory_space<vmem>>)
    %add3A_194 = arith.constant 49 : i32
    %add3A_195 = arith.addi %mul3A_2, %add3A_194 : i32
    %mul3A_196 = arith.constant 128 : i32
    %mul3A_197 = arith.muli %add3A_195, %mul3A_196 : i32
    %dma_start3A_198 = arith.constant 4 : i32
    %dma_start3A_199 = arith.constant 0 : i32
    %dma_start3A_200 = arith.constant 0 : i32
    %dma_start3A_201 = tpu.memref_slice %arg6[%dma_start3A_198, %dma_start3A_199, %dma_start3A_200] : memref<5x128x64xf32, #tpu.memory_space<vmem>> -> memref<1x128x64xf32, #tpu.memory_space<vmem>>
    %dma_start3A_202 = tpu.memref_squeeze %dma_start3A_201 : memref<1x128x64xf32, #tpu.memory_space<vmem>> -> memref<128x64xf32, #tpu.memory_space<vmem>>
    %dma_start3A_203 = arith.constant 0 : i32
    %dma_start3A_204 = tpu.memref_slice %arg4[%mul3A_197, %dma_start3A_203] : memref<204800x64xf32, #tpu.memory_space<hbm>> -> memref<128x64xf32, #tpu.memory_space<hbm>>
    %dma_start3A_205 = arith.constant 0 : i32
    %dma_start3A_206 = tpu.memref_slice %arg4[%mul3A_197, %dma_start3A_205] : memref<204800x64xf32, #tpu.memory_space<hbm>> -> memref<128x64xf32, #tpu.memory_space<hbm>>
    %dma_start3A_207 = arith.constant 0 : i32
    %dma_start3A_208 = arith.constant 0 : i32
    %dma_start3A_209 = tpu.memref_slice %arg6[%dma_start3A_198, %dma_start3A_207, %dma_start3A_208] : memref<5x128x64xf32, #tpu.memory_space<vmem>> -> memref<1x128x64xf32, #tpu.memory_space<vmem>>
    %dma_start3A_210 = tpu.memref_squeeze %dma_start3A_209 : memref<1x128x64xf32, #tpu.memory_space<vmem>> -> memref<128x64xf32, #tpu.memory_space<vmem>>
    tpu.enqueue_dma source(%dma_start3A_210 : memref<128x64xf32, #tpu.memory_space<vmem>>) target(%dma_start3A_206 : memref<128x64xf32, #tpu.memory_space<hbm>>) target_semaphore(%arg16 : memref<!tpu.dma_semaphore, #tpu.memory_space<semaphore_mem>>)
    %dma_wait3A_211 = arith.constant 0 : i32
    %dma_wait3A_212 = arith.constant 0 : i32
    %dma_wait3A_213 = arith.constant 0 : i32
    %dma_wait3A_214 = tpu.memref_slice %arg6[%dma_wait3A_211, %dma_wait3A_212, %dma_wait3A_213] : memref<5x128x64xf32, #tpu.memory_space<vmem>> -> memref<1x128x64xf32, #tpu.memory_space<vmem>>
    %dma_wait3A_215 = tpu.memref_squeeze %dma_wait3A_214 : memref<1x128x64xf32, #tpu.memory_space<vmem>> -> memref<128x64xf32, #tpu.memory_space<vmem>>
    %dma_wait3A_216 = arith.constant 0 : i32
    %dma_wait3A_217 = arith.constant 0 : i32
    %dma_wait3A_218 = tpu.memref_slice %arg4[%dma_wait3A_216, %dma_wait3A_217] : memref<204800x64xf32, #tpu.memory_space<hbm>> -> memref<128x64xf32, #tpu.memory_space<hbm>>
    %dma_wait3A_219 = arith.constant 0 : i32
    %dma_wait3A_220 = arith.constant 0 : i32
    %dma_wait3A_221 = tpu.memref_slice %arg4[%dma_wait3A_219, %dma_wait3A_220] : memref<204800x64xf32, #tpu.memory_space<hbm>> -> memref<128x64xf32, #tpu.memory_space<hbm>>
    %dma_wait3A_222 = arith.constant 0 : i32
    %dma_wait3A_223 = arith.constant 0 : i32
    %dma_wait3A_224 = tpu.memref_slice %arg6[%dma_wait3A_211, %dma_wait3A_222, %dma_wait3A_223] : memref<5x128x64xf32, #tpu.memory_space<vmem>> -> memref<1x128x64xf32, #tpu.memory_space<vmem>>
    %dma_wait3A_225 = tpu.memref_squeeze %dma_wait3A_224 : memref<1x128x64xf32, #tpu.memory_space<vmem>> -> memref<128x64xf32, #tpu.memory_space<vmem>>
    tpu.wait_dma2 semaphore(%arg12 : memref<!tpu.dma_semaphore, #tpu.memory_space<semaphore_mem>>) src(%dma_wait3A_225 : memref<128x64xf32, #tpu.memory_space<vmem>>) dst(%dma_wait3A_221 : memref<128x64xf32, #tpu.memory_space<hbm>>)
    %dma_wait3A_226 = arith.constant 1 : i32
    %dma_wait3A_227 = arith.constant 0 : i32
    %dma_wait3A_228 = arith.constant 0 : i32
    %dma_wait3A_229 = tpu.memref_slice %arg6[%dma_wait3A_226, %dma_wait3A_227, %dma_wait3A_228] : memref<5x128x64xf32, #tpu.memory_space<vmem>> -> memref<1x128x64xf32, #tpu.memory_space<vmem>>
    %dma_wait3A_230 = tpu.memref_squeeze %dma_wait3A_229 : memref<1x128x64xf32, #tpu.memory_space<vmem>> -> memref<128x64xf32, #tpu.memory_space<vmem>>
    %dma_wait3A_231 = arith.constant 0 : i32
    %dma_wait3A_232 = arith.constant 0 : i32
    %dma_wait3A_233 = tpu.memref_slice %arg4[%dma_wait3A_231, %dma_wait3A_232] : memref<204800x64xf32, #tpu.memory_space<hbm>> -> memref<128x64xf32, #tpu.memory_space<hbm>>
    %dma_wait3A_234 = arith.constant 0 : i32
    %dma_wait3A_235 = arith.constant 0 : i32
    %dma_wait3A_236 = tpu.memref_slice %arg4[%dma_wait3A_234, %dma_wait3A_235] : memref<204800x64xf32, #tpu.memory_space<hbm>> -> memref<128x64xf32, #tpu.memory_space<hbm>>
    %dma_wait3A_237 = arith.constant 0 : i32
    %dma_wait3A_238 = arith.constant 0 : i32
    %dma_wait3A_239 = tpu.memref_slice %arg6[%dma_wait3A_226, %dma_wait3A_237, %dma_wait3A_238] : memref<5x128x64xf32, #tpu.memory_space<vmem>> -> memref<1x128x64xf32, #tpu.memory_space<vmem>>
    %dma_wait3A_240 = tpu.memref_squeeze %dma_wait3A_239 : memref<1x128x64xf32, #tpu.memory_space<vmem>> -> memref<128x64xf32, #tpu.memory_space<vmem>>
    tpu.wait_dma2 semaphore(%arg13 : memref<!tpu.dma_semaphore, #tpu.memory_space<semaphore_mem>>) src(%dma_wait3A_240 : memref<128x64xf32, #tpu.memory_space<vmem>>) dst(%dma_wait3A_236 : memref<128x64xf32, #tpu.memory_space<hbm>>)
    %dma_wait3A_241 = arith.constant 2 : i32
    %dma_wait3A_242 = arith.constant 0 : i32
    %dma_wait3A_243 = arith.constant 0 : i32
    %dma_wait3A_244 = tpu.memref_slice %arg6[%dma_wait3A_241, %dma_wait3A_242, %dma_wait3A_243] : memref<5x128x64xf32, #tpu.memory_space<vmem>> -> memref<1x128x64xf32, #tpu.memory_space<vmem>>
    %dma_wait3A_245 = tpu.memref_squeeze %dma_wait3A_244 : memref<1x128x64xf32, #tpu.memory_space<vmem>> -> memref<128x64xf32, #tpu.memory_space<vmem>>
    %dma_wait3A_246 = arith.constant 0 : i32
    %dma_wait3A_247 = arith.constant 0 : i32
    %dma_wait3A_248 = tpu.memref_slice %arg4[%dma_wait3A_246, %dma_wait3A_247] : memref<204800x64xf32, #tpu.memory_space<hbm>> -> memref<128x64xf32, #tpu.memory_space<hbm>>
    %dma_wait3A_249 = arith.constant 0 : i32
    %dma_wait3A_250 = arith.constant 0 : i32
    %dma_wait3A_251 = tpu.memref_slice %arg4[%dma_wait3A_249, %dma_wait3A_250] : memref<204800x64xf32, #tpu.memory_space<hbm>> -> memref<128x64xf32, #tpu.memory_space<hbm>>
    %dma_wait3A_252 = arith.constant 0 : i32
    %dma_wait3A_253 = arith.constant 0 : i32
    %dma_wait3A_254 = tpu.memref_slice %arg6[%dma_wait3A_241, %dma_wait3A_252, %dma_wait3A_253] : memref<5x128x64xf32, #tpu.memory_space<vmem>> -> memref<1x128x64xf32, #tpu.memory_space<vmem>>
    %dma_wait3A_255 = tpu.memref_squeeze %dma_wait3A_254 : memref<1x128x64xf32, #tpu.memory_space<vmem>> -> memref<128x64xf32, #tpu.memory_space<vmem>>
    tpu.wait_dma2 semaphore(%arg14 : memref<!tpu.dma_semaphore, #tpu.memory_space<semaphore_mem>>) src(%dma_wait3A_255 : memref<128x64xf32, #tpu.memory_space<vmem>>) dst(%dma_wait3A_251 : memref<128x64xf32, #tpu.memory_space<hbm>>)
    %dma_wait3A_256 = arith.constant 3 : i32
    %dma_wait3A_257 = arith.constant 0 : i32
    %dma_wait3A_258 = arith.constant 0 : i32
    %dma_wait3A_259 = tpu.memref_slice %arg6[%dma_wait3A_256, %dma_wait3A_257, %dma_wait3A_258] : memref<5x128x64xf32, #tpu.memory_space<vmem>> -> memref<1x128x64xf32, #tpu.memory_space<vmem>>
    %dma_wait3A_260 = tpu.memref_squeeze %dma_wait3A_259 : memref<1x128x64xf32, #tpu.memory_space<vmem>> -> memref<128x64xf32, #tpu.memory_space<vmem>>
    %dma_wait3A_261 = arith.constant 0 : i32
    %dma_wait3A_262 = arith.constant 0 : i32
    %dma_wait3A_263 = tpu.memref_slice %arg4[%dma_wait3A_261, %dma_wait3A_262] : memref<204800x64xf32, #tpu.memory_space<hbm>> -> memref<128x64xf32, #tpu.memory_space<hbm>>
    %dma_wait3A_264 = arith.constant 0 : i32
    %dma_wait3A_265 = arith.constant 0 : i32
    %dma_wait3A_266 = tpu.memref_slice %arg4[%dma_wait3A_264, %dma_wait3A_265] : memref<204800x64xf32, #tpu.memory_space<hbm>> -> memref<128x64xf32, #tpu.memory_space<hbm>>
    %dma_wait3A_267 = arith.constant 0 : i32
    %dma_wait3A_268 = arith.constant 0 : i32
    %dma_wait3A_269 = tpu.memref_slice %arg6[%dma_wait3A_256, %dma_wait3A_267, %dma_wait3A_268] : memref<5x128x64xf32, #tpu.memory_space<vmem>> -> memref<1x128x64xf32, #tpu.memory_space<vmem>>
    %dma_wait3A_270 = tpu.memref_squeeze %dma_wait3A_269 : memref<1x128x64xf32, #tpu.memory_space<vmem>> -> memref<128x64xf32, #tpu.memory_space<vmem>>
    tpu.wait_dma2 semaphore(%arg15 : memref<!tpu.dma_semaphore, #tpu.memory_space<semaphore_mem>>) src(%dma_wait3A_270 : memref<128x64xf32, #tpu.memory_space<vmem>>) dst(%dma_wait3A_266 : memref<128x64xf32, #tpu.memory_space<hbm>>)
    %dma_wait3A_271 = arith.constant 4 : i32
    %dma_wait3A_272 = arith.constant 0 : i32
    %dma_wait3A_273 = arith.constant 0 : i32
    %dma_wait3A_274 = tpu.memref_slice %arg6[%dma_wait3A_271, %dma_wait3A_272, %dma_wait3A_273] : memref<5x128x64xf32, #tpu.memory_space<vmem>> -> memref<1x128x64xf32, #tpu.memory_space<vmem>>
    %dma_wait3A_275 = tpu.memref_squeeze %dma_wait3A_274 : memref<1x128x64xf32, #tpu.memory_space<vmem>> -> memref<128x64xf32, #tpu.memory_space<vmem>>
    %dma_wait3A_276 = arith.constant 0 : i32
    %dma_wait3A_277 = arith.constant 0 : i32
    %dma_wait3A_278 = tpu.memref_slice %arg4[%dma_wait3A_276, %dma_wait3A_277] : memref<204800x64xf32, #tpu.memory_space<hbm>> -> memref<128x64xf32, #tpu.memory_space<hbm>>
    %dma_wait3A_279 = arith.constant 0 : i32
    %dma_wait3A_280 = arith.constant 0 : i32
    %dma_wait3A_281 = tpu.memref_slice %arg4[%dma_wait3A_279, %dma_wait3A_280] : memref<204800x64xf32, #tpu.memory_space<hbm>> -> memref<128x64xf32, #tpu.memory_space<hbm>>
    %dma_wait3A_282 = arith.constant 0 : i32
    %dma_wait3A_283 = arith.constant 0 : i32
    %dma_wait3A_284 = tpu.memref_slice %arg6[%dma_wait3A_271, %dma_wait3A_282, %dma_wait3A_283] : memref<5x128x64xf32, #tpu.memory_space<vmem>> -> memref<1x128x64xf32, #tpu.memory_space<vmem>>
    %dma_wait3A_285 = tpu.memref_squeeze %dma_wait3A_284 : memref<1x128x64xf32, #tpu.memory_space<vmem>> -> memref<128x64xf32, #tpu.memory_space<vmem>>
    tpu.wait_dma2 semaphore(%arg16 : memref<!tpu.dma_semaphore, #tpu.memory_space<semaphore_mem>>) src(%dma_wait3A_285 : memref<128x64xf32, #tpu.memory_space<vmem>>) dst(%dma_wait3A_281 : memref<128x64xf32, #tpu.memory_space<hbm>>)
    return
  }
}

</mosaic_0001>

<sc_bundles>
// kernel: kernel.3.cloned.1.call-start
scs
__scs_entry_jumppad:
0x0: {  	(pc) =	sbr.rel $0x88, $3  }
0x1: {  	(tag) =	ssettag $0x0;
	lr =	simm.s32 $0x1  }
0x2: {  	[smem:$0x3F9F] =	sst lr;
	_ =	strace $0xD0000000  }
0x3: {  	_ = 	snop  }
0x4: {  	_ = 	snop  }
0x5: {  	_ = 	snop  }
0x6: {  	_ = 	snop  }
0x7: {  	_ = 	snop  }
__scs_overlays_trampoline_lowered:
0x8: {  	[smem:$0x3FAE] =	sst s0  }
0x9: {  	[smem:$0x3FAF] =	sst s1  }
0xa: {  	[smem:$0x3FB0] =	sst s2  }
0xb: {  	[smem:$0x3FB1] =	sst s3  }
0xc: {  	[smem:$0x3FB2] =	sst s4  }
0xd: {  	[smem:$0x3FB3] =	sst s5  }
0xe: {  	[smem:$0x3FB4] =	sst s6  }
0xf: {  	[smem:$0x3FB5] =	sst s7  }
0x10: {  	[smem:$0x3FB6] =	sst s8  }
0x11: {  	[smem:$0x3FB7] =	sst s9;
	s0 =	simm.s32 @!p0 $0x0  }
0x12: {  	s1 =	sld [smem:$0x3F9D];
	s0 =	simm.s32 @p0 $0x1  }
0x13: {  	[smem:$0x3FB8] =	sst s0;
	s0 =	simm.s32 @!p1 $0x0  }
0x14: {  	s2 =	sld [smem:$0x3F9C];
	s0 =	simm.s32 @p1 $0x1  }
0x15: {  	[smem:$0x3FB9] =	sst s0;
	s0 =	simm.s32 @!p2 $0x0  }
0x16: {  	s3 =	sld [smem:$0x3FDB];
	s0 =	simm.s32 @p2 $0x1  }
0x17: {  	s4 =	simm.s32 $0x1BF5;
	[smem:$0x3FBB] =	sst s0  }
0x18: {  	s0 =	sld [smem:$0x3F9E];
	_ =	swait.ge [sflag:s4], $0x0  }
0x19: {  	s7 =	sld [smem:$0x3F9F]  }
0x1a: {  	s8 =	sadd.s32 $0xFFFFE003, lr  }
0x1b: {  	s9 =	sadd.s32 $0xFFFFFEF7, lr;
	s5 =	simm.s32 $0xFFFFFFFF;
	p2 =	slt.u32 s8, $0xFFFFF086  }
0x1c: {  	p1 =	slt.u32 s9, $0xF7A;
	s5 =	simm.s32 @!p2 $0x0  }
0x1d: {  	s5 =	simm.s32 @p1 $0x1;
	p0 =	seq.s32 s7, s2  }
0x1e: {  	s7 =	smul.u32 @!p0 $0xF7A, s2;
	p2 =	seq.s32 @!p0 s5, $0x0  }
0x1f: {  	s9 =	smul.u32 $0xF7A, s1;
	s8 =	simm.s32 @!p0 $0x1BF5;
	p2 =	por !p2, p0  }
0x20: {  	[sflag:s8] =	ssyncset.s32 @!p0 $0xFFFFF086;
	s6 =	sadd.s32 @!p0 s3, s7;
	s7 =	simm.s32 @!p0 $0x108  }
0x21: {  	s3 =	sadd.s32 s3, s9;
	s6 =	sadd.s32 @!p0 $0x88, s6;
	s7 =	simm.s32 @p2 $0x1082  }
0x22: {  	[simem:s7], [sflag:s8] =	dma.local @!p0 [hbm:s6], $0xF7A  }
0x23: {  	s9 =	sor.u32 $0xD0000000, s2;
	s6 =	simm.s32 $0x108;
	_ =	swait.ge @!p0 [sflag:s8], $0x0  }
0x24: {  	s3 =	sadd.s32 $0x88, s3;
	s6 =	simm.s32 @!p1 $0x1082;
	[sflag:s4] =	ssyncset.s32 $0xFFFFF086  }
0x25: {  	[simem:s6], [sflag:s4] =	dma.local [hbm:s3], $0xF7A  }
0x26: {  	[smem:$0x3F9F] =	sst s1;
	(tag) =	ssettag s2;
	_ =	strace s9  }
0x27: {  	s1 =	sld [smem:$0x3FAF]  }
0x28: {  	s2 =	sld [smem:$0x3FB0]  }
0x29: {  	s4 =	sld [smem:$0x3FB2]  }
0x2a: {  	p0 =	seq.s32 s5, $0x0;
	s5 =	sld [smem:$0x3FB3]  }
0x2b: {  	s6 =	sld [smem:$0x3FB4]  }
0x2c: {  	s7 =	sld [smem:$0x3FB5]  }
0x2d: {  	s3 =	simm.s32 $0x108;
	s8 =	sld [smem:$0x3FB6]  }
0x2e: {  	s3 =	simm.s32 @!p0 $0x1082;
	s9 =	sld [smem:$0x3FB7]  }
0x2f: {  	lr =	sadd.s32 s0, s3;
	s0 =	sld [smem:$0x3FAE]  }
0x30: {  	s3 =	sld [smem:$0x3FB1]  }
0x31: {  	[smem:$0x3FBA] =	sst s10  }
0x32: {  	s10 =	sld [smem:$0x3FB8];
	_ =	sdelay $0x3  }
0x33: {  	p0 =	seq.s32 s10, $0x1;
	s10 =	sld [smem:$0x3FBA];
	_ =	sdelay $0x3  }
0x34: {  	[smem:$0x3FBA] =	sst s10  }
0x35: {  	s10 =	sld [smem:$0x3FB9];
	_ =	sdelay $0x3  }
0x36: {  	p1 =	seq.s32 s10, $0x1;
	s10 =	sld [smem:$0x3FBA];
	_ =	sdelay $0x3  }
0x37: {  	[smem:$0x3FBA] =	sst s10  }
0x38: {  	s10 =	sld [smem:$0x3FBB]  }
0x39: {  	_ = 	snop;
	(pc) =	sbr.ind lr, $3  }
0x3a: {  	_ = 	snop  }
0x3b: {  	_ = 	snop  }
0x3c: {  	p2 =	seq.s32 s10, $0x1;
	s10 =	sld [smem:$0x3FBA]  }
0x3d: {  	_ =	shalt  }
0x3e: {  	_ =	shalt  }
0x3f: {  	_ =	shalt  }
0x40: {  	_ =	shalt  }
0x41: {  	_ =	shalt  }
0x42: {  	_ =	shalt  }
0x43: {  	_ =	shalt  }
0x44: {  	_ =	shalt  }
0x45: {  	_ =	shalt  }
0x46: {  	_ =	shalt  }
0x47: {  	_ =	shalt  }
0x48: {  	_ =	shalt  }
0x49: {  	_ =	shalt  }
0x4a: {  	_ =	shalt  }
0x4b: {  	_ =	shalt  }
0x4c: {  	_ =	shalt  }
0x4d: {  	_ =	shalt  }
0x4e: {  	_ =	shalt  }
0x4f: {  	_ =	shalt  }
0x50: {  	_ =	shalt  }
0x51: {  	_ =	shalt  }
0x52: {  	_ =	shalt  }
0x53: {  	_ =	shalt  }
0x54: {  	_ =	shalt  }
0x55: {  	_ =	shalt  }
0x56: {  	_ =	shalt  }
0x57: {  	_ =	shalt  }
0x58: {  	_ =	shalt  }
0x59: {  	_ =	shalt  }
0x5a: {  	_ =	shalt  }
0x5b: {  	_ =	shalt  }
0x5c: {  	_ =	shalt  }
0x5d: {  	_ =	shalt  }
0x5e: {  	_ =	shalt  }
0x5f: {  	_ =	shalt  }
0x60: {  	_ =	shalt  }
0x61: {  	_ =	shalt  }
0x62: {  	_ =	shalt  }
0x63: {  	_ =	shalt  }
0x64: {  	_ =	shalt  }
0x65: {  	_ =	shalt  }
0x66: {  	_ =	shalt  }
0x67: {  	_ =	shalt  }
0x68: {  	_ =	shalt  }
0x69: {  	_ =	shalt  }
0x6a: {  	_ =	shalt  }
0x6b: {  	_ =	shalt  }
0x6c: {  	_ =	shalt  }
0x6d: {  	_ =	shalt  }
0x6e: {  	_ =	shalt  }
0x6f: {  	_ =	shalt  }
0x70: {  	_ =	shalt  }
0x71: {  	_ =	shalt  }
0x72: {  	_ =	shalt  }
0x73: {  	_ =	shalt  }
0x74: {  	_ =	shalt  }
0x75: {  	_ =	shalt  }
0x76: {  	_ =	shalt  }
0x77: {  	_ =	shalt  }
0x78: {  	_ =	shalt  }
0x79: {  	_ =	shalt  }
0x7a: {  	_ =	shalt  }
0x7b: {  	_ =	shalt  }
0x7c: {  	_ =	shalt  }
0x7d: {  	_ =	shalt  }
0x7e: {  	_ =	shalt  }
0x7f: {  	_ =	shalt  }
0x80: {  	_ =	shalt  }
0x81: {  	_ =	shalt  }
0x82: {  	_ =	shalt  }
0x83: {  	_ =	shalt  }
0x84: {  	_ =	shalt  }
0x85: {  	_ =	shalt  }
0x86: {  	_ =	shalt  }
0x87: {  	_ =	shalt  }
.Lfunc_end0:
.L_simem_size_0:
called_computation.1_lowered:
.L_overlay_start_0:
0x88: {  	s2 =	sld [smem:$0x3FD9]  }
0x89: {  	s3 =	sld [smem:$0x3FFE];
	_ =	sdelay $0x1  }
0x8a: {  	s1 =	srdreg.scid  }
0x8b: {  	s0 =	sand.u32 $0x1, s1  }
0x8c: {  	s17 =	sshll.u32 s0, $0xA;
	s2 =	sadd.s32 s3, s2  }
0x8d: {  	s2 =	sadd.s32 s2, s17  }
0x8e: {  	[smem:$0x3FC6] =	sst s2  }
0x8f: {  	_ = 	snop  }
0x90: {  	s2 =	sld [smem:$0x3FC9]  }
0x91: {  	s18 =	sld [smem:$0x3FD0];
	(tm) =	ssettm $0x1  }
0x92: {  	s4 =	sld [smem:$0x3FFB];
	_ =	sdelay $0x3  }
0x93: {  	_ =	strace s4  }
0x94: {  	s4 =	sld [smem:$0x3FFC];
	_ =	sdelay $0x3  }
0x95: {  	_ =	strace s4  }
0x96: {  	s4 =	sld [smem:$0x3FFD];
	_ =	sdelay $0x3  }
0x97: {  	_ =	strace s4  }
0x98: {  	_ =	strace $0x8FFFFFFF  }
0x99: {  	s19 =	sld [smem:$0x3FDB];
	_ =	sdelay $0x1  }
0x9a: {  	s5 =	simm.s32 $_scs_section_size  }
0x9b: {  	s6 =	simm.s32 $_size__tile_overlayer_lowered;
	s7 =	simm.s32 $_tile_overlayer_lowered  }
0x9c: {  	s22 =	simm.s32 $0x1BFF;
	s21 =	sshll.u32 s7, $0x1;
	s4 =	sadd.s32 s5, s19  }
0x9d: {  	s8 =	simm.s32 $0x0;
	s20 =	sshll.u32 s6, $0x1;
	s6 =	sadd.s32 s21, s4  }
0x9e: {  	[timem:s8], [sflag:s22] =	dma.local [hbm:s6], s20  }
0x9f: {  	_ =	swait.ge [sflag:s22], s20  }
0xa0: {  	s5 =	ssub.s32 $0x0, s20;
	[sflag:s22] =	ssyncset.done $0x0  }
0xa1: {  	[sflag:s22] =	ssyncadd.s32 s5;
	_ =	sdelay $0x1  }
0xa2: {  	s23 =	simm.s32 $0x1B8B  }
0xa3: {  	_ =	swait.ge [sflag:s23], $0x1  }
0xa4: {  	[sflag:s23] =	ssyncset.done $0x0  }
0xa5: {  	s25 =	simm.s32 $0x1B8E;
	s24 =	sld [smem:$0x3FFE];
	[sflag:s23] =	ssyncadd.s32 $0xFFFFFFFF  }
0xa6: {  	s26 =	simm.s32 $execute0_lowered;
	[smem:$0x3FD2] =	sst s25  }
0xa7: {  	s6 =	sshll.u32 s26, $0x1;
	_ =	strace $0x80000046;
	[dreg:$0x1] =	wrdreg $0xFFFFFFFF  }
0xa8: {  	s28 =	simm.s32 $_size_execute0_lowered;
	s4 =	sadd.s32 s4, s6;
	[dreg:$0x0] =	wrdreg $0x0  }
0xa9: {  	s6 =	sshll.u32 s28, $0x1;
	[dreg:$0x2] =	wrdreg s4  }
0xaa: {  	[dreg:$0x3] =	wrdreg s6  }
0xab: {  	[dreg:$0x4] =	wrdreg $0xC0  }
0xac: {  	_ =	task [dreg:s8], $0x5FFFF  }
0xad: {  	[dreg:$0x1] =	wrdreg $0xFFFFFFFF  }
0xae: {  	[dreg:$0x0] =	wrdreg $0x60  }
0xaf: {  	[dreg:$0x2] =	wrdreg s2  }
0xb0: {  	[dreg:$0x3] =	wrdreg s24  }
0xb1: {  	[dreg:$0x4] =	wrdreg s18  }
0xb2: {  	[dreg:$0x5] =	wrdreg $0x9  }
0xb3: {  	_ =	task.clear_ibuf [dreg:s8], $0x6FFFF;
	_ =	strace $0x90000046  }
0xb4: {  	s29 =	simm.s32 $0x9;
	_ =	strace $0x80000048  }
0xb5: {  	_ =	swait.ge [sflag:s29], $0x1  }
0xb6: {  	[sflag:s29] =	ssyncadd.s32 $0xFFFFFFFF  }
0xb7: {  	_ =	strace $0x90000048  }
0xb8: {  	_ =	sfence  }
0xb9: {  	s30 =	sld [smem:$0x0];
	_ =	sdelay $0x2  }
0xba: {  	s31 =	sshll.u32 s1, $0xD;
	s1 =	sshrl.u32 s1, $0x2  }
0xbb: {  	s3 =	sand.u32 $0x4000, s31;
	s1 =	sadd.s32 s1, s30  }
0xbc: {  	s0 =	sor.u32 s3, s0;
	s1 =	sshll.u32 s1, $0x11  }
0xbd: {  	s0 =	sor.u32 s1, s0  }
0xbe: {  	s0 =	sadd.s32 $0x8F2B, s0  }
0xbf: {  	[sflag:s0] =	ssyncadd.remote.s32 $0x1  }
0xc0: {  	_ =	sfence.sel $0xFFFF  }
0xc1: {  	[dreg:$0x0] =	wrdreg $0xFFFFFFFF;
	(pc) =	sbr.abs _section_cstart, $3  }
0xc2: {  	[dreg:$0x1] =	wrdreg $0xFFFFFFFF  }
0xc3: {  	_ =	task.clear_ibuf [dreg:s8], $0x2FFFF;
	_ =	strace $0x9FFFFFFF  }
0xc4: {  	(tm) =	ssettm $0x7FFFFFFF  }
0xc5: {  	_ =	shalt  }
tec
execute0_lowered:
.L_overlay_start_1:
0x0: {  	(tag) =	ssettag $0x1  }
0x1: {  	s0 =	rddreg [dreg:$0x0]  }
0x2: {  	s1 =	rddreg [dreg:$0x1]  }
0x3: {  	s4 =	rddreg [dreg:$0x2]  }
0x4: {  	s3 =	srdreg.scid;
	s11 =	stileid.u32;
	s2 =	simm.s32 $0x0  }
0x5: {  	s15 =	simm.s32 $0xB;
	s16 =	simm.s32 $0x80;
	s17 =	simm.s32 $0x1900  }
0x6: {  	s28 =	simm.s32 $0x3;
	s29 =	simm.s32 $0x4;
	s8 =	smul.u32 $0x64, s11  }
0x7: {  	s30 =	simm.s32 $0x5;
	s5 =	sand.u32 $0x1, s3;
	s26 =	smul.u32 $0x19000, s11  }
0x8: {  	s31 =	simm.s32 $0x6;
	s18 =	sshll.u32 s11, $0x1;
	s10 =	smul.u32 $0x32, s5  }
0x9: {  	s6 =	sor.u32 s5, s18;
	s20 =	ssub.s32 $0x2, s5;
	s5 =	smul.u32 $0xC800, s5  }
0xa: {  	[smem:$0x7FF] =	sst s2;
	s3 =	sadd.s32 $0xF42C00, s1;
	s7 =	smul.u32 $0x64000, s6  }
0xb: {  	_ =	strace $0x80000047;
	s18 =	simm.s32 $0x3900;
	s19 =	smul.u32 $0x320, s6  }
0xc: {  	s9 =	sshrl.u32 s20, $0x1;
	s1 =	sadd.s32 s26, s4;
	s26 =	simm.s32 $0x2  }
0xd: {  	s6 =	ssub.s32 s20, s9;
	s24 =	sadd.s32 s10, s8;
	s14 =	sadd.s32 s5, s1  }
0xe: {  	s20 =	simm.s32 $0x5900;
	s7 =	sshrl.u32 s7, $0x3;
	s0 =	sadd.s32 s0, s19  }
0xf: {  	s6 =	smax.u32 s6, $0x1;
	s7 =	sadd.s32 s4, s7;
	[dreg:$0x4] =	wrdreg s0  }
0x10: {  	s1 =	simm.s32 $0x8;
	[dreg:$0xa] =	wrdreg s6;
	s21 =	sadd.s32 $0xB400, s7  }
0x11: {  	s19 =	simm.s32 $0x9;
	s22 =	sadd.s32 $0xB800, s7;
	[dreg:$0x5] =	wrdreg s21  }
0x12: {  	s0 =	sshll.u32 s24, $0xA;
	s23 =	sadd.s32 $0xBC00, s7;
	[dreg:$0x6] =	wrdreg s22  }
0x13: {  	s24 =	simm.s32 $0x9900;
	s25 =	sadd.s32 $0xC000, s7;
	[dreg:$0x7] =	wrdreg s23  }
0x14: {  	s7 =	sadd.s32 $0xC400, s7;
	s0 =	sadd.s32 s0, s4;
	[dreg:$0x8] =	wrdreg s25  }
0x15: {  	[dreg:$0x9] =	wrdreg s7;
	s11 =	sadd.s32 $0x1000, s0;
	s12 =	sadd.s32 $0xC00, s0  }
0x16: {  	s13 =	sadd.s32 $0x400, s0;
	s22 =	simm.s32 $0x7900;
	s25 =	simm.s32 $0x1  }
0x17: {  	s0 =	simm.s32 $0x7;
	s21 =	simm.s32 $0xA;
	s23 =	simm.s32 $0x0  }
.LBB2_1:
0x18: {  	s4 =	rddreg [dreg:$0x4]  }
0x19: {  	[tilespmem:s2], [sflag:$0xB] =	stream.linear.gather [hbm4b:s4+s2], $0x1900, $0x38;
	[tilespmem:$0xB900] =	vst v63  }
0x1a: {  	_ =	swait.ge [sflag:s15], $0x1900  }
0x1b: {  	[sflag:s15] =	ssyncset.done $0x0  }
0x1c: {  	[sflag:s15] =	ssyncadd.s32 $0xFFFFE700  }
0x1d: {  	[tilespmem:s17], [sflag:$0x1] =	stream.indirect.gather [hbm4b:s3+s16], $0x40, s2, s16, $0xb8;
	[tilespmem:$0xB900] =	vst v63  }
0x1e: {  	_ = 	snop  }
0x1f: {  	[tilespmem:s18], [sflag:$0x2] =	stream.indirect.gather [hbm4b:s3+s16], $0x40, s16, s16, $0xb8;
	[tilespmem:$0xB900] =	vst v63  }
0x20: {  	s9 =	simm.s32 $0x100  }
0x21: {  	[tilespmem:s20], [sflag:$0x3] =	stream.indirect.gather [hbm4b:s3+s16], $0x40, s9, s16, $0xb8;
	[tilespmem:$0xB900] =	vst v63  }
0x22: {  	s10 =	simm.s32 $0x180  }
0x23: {  	[tilespmem:s22], [sflag:$0x4] =	stream.indirect.gather [hbm4b:s3+s16], $0x40, s10, s16, $0xb8;
	[tilespmem:$0xB900] =	vst v63  }
0x24: {  	s5 =	simm.s32 $0x200  }
0x25: {  	[tilespmem:s24], [sflag:$0x5] =	stream.indirect.gather [hbm4b:s3+s16], $0x40, s5, s16, $0xb8;
	[tilespmem:$0xB900] =	vst v63  }
0x26: {  	_ =	swait.ge [sflag:s25], $0x2000  }
0x27: {  	[sflag:s25] =	ssyncset.done $0x0  }
0x28: {  	[sflag:s25] =	ssyncadd.s32 $0xFFFFE000  }
0x29: {  	[hbm4b:s14+s2] =	stream.linear.scatter [tilespmem:s17], [sflag:$0x6], $0x2000, $0x38;
	[tilespmem:$0xB900] =	vst v63  }
0x2a: {  	_ =	swait.ge [sflag:s26], $0x2000  }
0x2b: {  	[sflag:s26] =	ssyncset.done $0x0  }
0x2c: {  	[sflag:s26] =	ssyncadd.s32 $0xFFFFE000  }
0x2d: {  	[hbm4b:s13+s2] =	stream.linear.scatter [tilespmem:s18], [sflag:$0x7], $0x2000, $0x38;
	[tilespmem:$0xB900] =	vst v63  }
0x2e: {  	_ =	swait.ge [sflag:s28], $0x2000  }
0x2f: {  	[sflag:s28] =	ssyncset.done $0x0  }
0x30: {  	s6 =	sadd.s32 $0xFFFFFC00, s12;
	[sflag:s28] =	ssyncadd.s32 $0xFFFFE000  }
0x31: {  	[hbm4b:s6+s2] =	stream.linear.scatter [tilespmem:s20], [sflag:$0x8], $0x2000, $0x38;
	[tilespmem:$0xB900] =	vst v63  }
0x32: {  	_ =	swait.ge [sflag:s29], $0x2000  }
0x33: {  	[sflag:s29] =	ssyncset.done $0x0  }
0x34: {  	[sflag:s29] =	ssyncadd.s32 $0xFFFFE000  }
0x35: {  	[hbm4b:s12+s2] =	stream.linear.scatter [tilespmem:s22], [sflag:$0x9], $0x2000, $0x38;
	[tilespmem:$0xB900] =	vst v63  }
0x36: {  	_ =	swait.ge [sflag:s30], $0x2000  }
0x37: {  	[sflag:s30] =	ssyncset.done $0x0  }
0x38: {  	[sflag:s30] =	ssyncadd.s32 $0xFFFFE000  }
0x39: {  	[hbm4b:s11+s2] =	stream.linear.scatter [tilespmem:s24], [sflag:$0xA], $0x2000, $0x38;
	[tilespmem:$0xB900] =	vst v63  }
0x3a: {  	_ =	swait.ge [sflag:s31], $0x2000  }
0x3b: {  	[sflag:s31] =	ssyncset.done $0x0  }
0x3c: {  	s7 =	simm.s32 $0x280;
	[sflag:s31] =	ssyncadd.s32 $0xFFFFE000  }
0x3d: {  	[tilespmem:s17], [sflag:$0x1] =	stream.indirect.gather [hbm4b:s3+s16], $0x40, s7, s16, $0xb8;
	[tilespmem:$0xB900] =	vst v63  }
0x3e: {  	_ =	swait.ge [sflag:s0], $0x2000  }
0x3f: {  	[sflag:s0] =	ssyncset.done $0x0  }
0x40: {  	s8 =	simm.s32 $0x300;
	[sflag:s0] =	ssyncadd.s32 $0xFFFFE000  }
0x41: {  	[tilespmem:s18], [sflag:$0x2] =	stream.indirect.gather [hbm4b:s3+s16], $0x40, s8, s16, $0xb8;
	[tilespmem:$0xB900] =	vst v63  }
0x42: {  	_ =	swait.ge [sflag:s1], $0x2000  }
0x43: {  	[sflag:s1] =	ssyncset.done $0x0  }
0x44: {  	s9 =	simm.s32 $0x380;
	[sflag:s1] =	ssyncadd.s32 $0xFFFFE000  }
0x45: {  	[tilespmem:s20], [sflag:$0x3] =	stream.indirect.gather [hbm4b:s3+s16], $0x40, s9, s16, $0xb8;
	[tilespmem:$0xB900] =	vst v63  }
0x46: {  	_ =	swait.ge [sflag:s19], $0x2000  }
0x47: {  	[sflag:s19] =	ssyncset.done $0x0  }
0x48: {  	s10 =	simm.s32 $0x400;
	[sflag:s19] =	ssyncadd.s32 $0xFFFFE000  }
0x49: {  	[tilespmem:s22], [sflag:$0x4] =	stream.indirect.gather [hbm4b:s3+s16], $0x40, s10, s16, $0xb8;
	[tilespmem:$0xB900] =	vst v63  }
0x4a: {  	s4 =	simm.s32 $0xA00;
	s5 =	sadd.s32 $0x1400, s14;
	_ =	swait.ge [sflag:s21], $0x2000  }
0x4b: {  	s6 =	sadd.s32 $0x1400, s12;
	s7 =	sadd.s32 $0x1400, s13;
	[sflag:s21] =	ssyncset.done $0x0  }
0x4c: {  	s8 =	sadd.s32 $0x1400, s11;
	s9 =	simm.s32 $0x480;
	[sflag:s21] =	ssyncadd.s32 $0xFFFFE000  }
.LBB2_2:
0x4d: {  	[tilespmem:s24], [sflag:$0x5] =	stream.indirect.gather [hbm4b:s3+s16], $0x40, s9, s16, $0xb8;
	[tilespmem:$0xB900] =	vst v63  }
0x4e: {  	s9 =	smov.u32 s4  }
0x4f: {  	p0 =	sne.s32 s4, $0x5000;
	s4 =	sadd.s32 $0xA00, s4;
	_ =	swait.ge [sflag:s25], $0x2000  }
0x50: {  	[sflag:s25] =	ssyncset.done $0x0  }
0x51: {  	[sflag:s25] =	ssyncadd.s32 $0xFFFFE000  }
0x52: {  	[hbm4b:s5+s2] =	stream.linear.scatter [tilespmem:s17], [sflag:$0x6], $0x2000, $0x38;
	[tilespmem:$0xB900] =	vst v63  }
0x53: {  	_ =	swait.ge [sflag:s26], $0x2000  }
0x54: {  	[sflag:s26] =	ssyncset.done $0x0  }
0x55: {  	[sflag:s26] =	ssyncadd.s32 $0xFFFFE000  }
0x56: {  	[hbm4b:s7+s2] =	stream.linear.scatter [tilespmem:s18], [sflag:$0x7], $0x2000, $0x38;
	[tilespmem:$0xB900] =	vst v63  }
0x57: {  	_ =	swait.ge [sflag:s28], $0x2000  }
0x58: {  	[sflag:s28] =	ssyncset.done $0x0  }
0x59: {  	s10 =	sadd.s32 $0xFFFFFC00, s6;
	[sflag:s28] =	ssyncadd.s32 $0xFFFFE000  }
0x5a: {  	[hbm4b:s10+s2] =	stream.linear.scatter [tilespmem:s20], [sflag:$0x8], $0x2000, $0x38;
	[tilespmem:$0xB900] =	vst v63  }
0x5b: {  	_ =	swait.ge [sflag:s29], $0x2000  }
0x5c: {  	[sflag:s29] =	ssyncset.done $0x0  }
0x5d: {  	[sflag:s29] =	ssyncadd.s32 $0xFFFFE000  }
0x5e: {  	[hbm4b:s6+s2] =	stream.linear.scatter [tilespmem:s22], [sflag:$0x9], $0x2000, $0x38;
	[tilespmem:$0xB900] =	vst v63  }
0x5f: {  	_ =	swait.ge [sflag:s30], $0x2000  }
0x60: {  	[sflag:s30] =	ssyncset.done $0x0  }
0x61: {  	[sflag:s30] =	ssyncadd.s32 $0xFFFFE000  }
0x62: {  	[hbm4b:s8+s2] =	stream.linear.scatter [tilespmem:s24], [sflag:$0xA], $0x2000, $0x38;
	[tilespmem:$0xB900] =	vst v63  }
0x63: {  	_ =	swait.ge [sflag:s31], $0x2000  }
0x64: {  	s9 =	sshra.s32 s9, $0x2;
	[sflag:s31] =	ssyncset.done $0x0  }
0x65: {  	s10 =	sadd.s32 $0x280, s9;
	[sflag:s31] =	ssyncadd.s32 $0xFFFFE000  }
0x66: {  	[tilespmem:s17], [sflag:$0x1] =	stream.indirect.gather [hbm4b:s3+s16], $0x40, s10, s16, $0xb8;
	[tilespmem:$0xB900] =	vst v63  }
0x67: {  	_ =	swait.ge [sflag:s0], $0x2000  }
0x68: {  	[sflag:s0] =	ssyncset.done $0x0  }
0x69: {  	s10 =	sadd.s32 $0x300, s9;
	[sflag:s0] =	ssyncadd.s32 $0xFFFFE000  }
0x6a: {  	[tilespmem:s18], [sflag:$0x2] =	stream.indirect.gather [hbm4b:s3+s16], $0x40, s10, s16, $0xb8;
	[tilespmem:$0xB900] =	vst v63  }
0x6b: {  	_ =	swait.ge [sflag:s1], $0x2000  }
0x6c: {  	[sflag:s1] =	ssyncset.done $0x0  }
0x6d: {  	s10 =	sadd.s32 $0x380, s9;
	[sflag:s1] =	ssyncadd.s32 $0xFFFFE000  }
0x6e: {  	[tilespmem:s20], [sflag:$0x3] =	stream.indirect.gather [hbm4b:s3+s16], $0x40, s10, s16, $0xb8;
	[tilespmem:$0xB900] =	vst v63  }
0x6f: {  	_ =	swait.ge [sflag:s19], $0x2000  }
0x70: {  	[sflag:s19] =	ssyncset.done $0x0  }
.Ltmp0:
0x71: {  	s10 =	sadd.s32 $0x400, s9;
	[sflag:s19] =	ssyncadd.s32 $0xFFFFE000;
	(pc) =	sbr.rel @p0 .LBB2_2-.Ltmp0, $4  }
0x72: {  	[tilespmem:s22], [sflag:$0x4] =	stream.indirect.gather [hbm4b:s3+s16], $0x40, s10, s16, $0xb8;
	[tilespmem:$0xB900] =	vst v63  }
0x73: {  	s5 =	sadd.s32 $0x1400, s5;
	_ =	swait.ge [sflag:s21], $0x2000  }
0x74: {  	s7 =	sadd.s32 $0x1400, s7;
	s6 =	sadd.s32 $0x1400, s6;
	[sflag:s21] =	ssyncset.done $0x0  }
0x75: {  	s8 =	sadd.s32 $0x1400, s8;
	s9 =	sadd.s32 $0x480, s9;
	[sflag:s21] =	ssyncadd.s32 $0xFFFFE000  }
0x76: {  	[tilespmem:s24], [sflag:$0x5] =	stream.indirect.gather [hbm4b:s3+s16], $0x40, s9, s16, $0xb8;
	[tilespmem:$0xB900] =	vst v63  }
0x77: {  	_ =	swait.ge [sflag:s25], $0x2000  }
0x78: {  	[sflag:s25] =	ssyncset.done $0x0  }
0x79: {  	s4 =	rddreg [dreg:$0x5];
	[sflag:s25] =	ssyncadd.s32 $0xFFFFE000  }
0x7a: {  	[hbm4b:s4+s2] =	stream.linear.scatter [tilespmem:s17], [sflag:$0x6], $0x2000, $0x38;
	[tilespmem:$0xB900] =	vst v63  }
0x7b: {  	_ =	swait.ge [sflag:s26], $0x2000  }
0x7c: {  	[sflag:s26] =	ssyncset.done $0x0  }
0x7d: {  	s6 =	rddreg [dreg:$0x6];
	[sflag:s26] =	ssyncadd.s32 $0xFFFFE000  }
0x7e: {  	[hbm4b:s6+s2] =	stream.linear.scatter [tilespmem:s18], [sflag:$0x7], $0x2000, $0x38;
	[tilespmem:$0xB900] =	vst v63  }
0x7f: {  	_ =	swait.ge [sflag:s28], $0x2000  }
0x80: {  	[sflag:s28] =	ssyncset.done $0x0  }
0x81: {  	s7 =	rddreg [dreg:$0x7];
	[sflag:s28] =	ssyncadd.s32 $0xFFFFE000  }
0x82: {  	[hbm4b:s7+s2] =	stream.linear.scatter [tilespmem:s20], [sflag:$0x8], $0x2000, $0x38;
	[tilespmem:$0xB900] =	vst v63  }
0x83: {  	_ =	swait.ge [sflag:s29], $0x2000  }
0x84: {  	[sflag:s29] =	ssyncset.done $0x0  }
0x85: {  	s8 =	rddreg [dreg:$0x8];
	[sflag:s29] =	ssyncadd.s32 $0xFFFFE000  }
0x86: {  	[hbm4b:s8+s2] =	stream.linear.scatter [tilespmem:s22], [sflag:$0x9], $0x2000, $0x38;
	[tilespmem:$0xB900] =	vst v63  }
0x87: {  	_ =	swait.ge [sflag:s30], $0x2000  }
0x88: {  	[sflag:s30] =	ssyncset.done $0x0  }
0x89: {  	s9 =	rddreg [dreg:$0x9];
	[sflag:s30] =	ssyncadd.s32 $0xFFFFE000  }
0x8a: {  	[hbm4b:s9+s2] =	stream.linear.scatter [tilespmem:s24], [sflag:$0xA], $0x2000, $0x38;
	[tilespmem:$0xB900] =	vst v63  }
0x8b: {  	_ =	swait.ge [sflag:s31], $0x2000  }
0x8c: {  	[sflag:s31] =	ssyncset.done $0x0  }
0x8d: {  	[sflag:s31] =	ssyncadd.s32 $0xFFFFE000  }
0x8e: {  	_ =	swait.ge [sflag:s0], $0x2000  }
0x8f: {  	[sflag:s0] =	ssyncset.done $0x0  }
0x90: {  	[sflag:s0] =	ssyncadd.s32 $0xFFFFE000  }
0x91: {  	_ =	swait.ge [sflag:s1], $0x2000  }
0x92: {  	[sflag:s1] =	ssyncset.done $0x0  }
0x93: {  	[sflag:s1] =	ssyncadd.s32 $0xFFFFE000  }
0x94: {  	_ =	swait.ge [sflag:s19], $0x2000  }
0x95: {  	[sflag:s19] =	ssyncset.done $0x0  }
0x96: {  	[sflag:s19] =	ssyncadd.s32 $0xFFFFE000  }
0x97: {  	_ =	swait.ge [sflag:s21], $0x2000  }
0x98: {  	s23 =	sadd.s32 $0x1, s23;
	s10 =	rddreg [dreg:$0xa]  }
0x99: {  	p0 =	sne.s32 s23, s10  }
.Ltmp1:
0x9a: {  	_ = 	snop;
	(pc) =	sbr.rel @p0 .LBB2_1-.Ltmp1, $3  }
0x9b: {  	_ =	sdelay $0x1  }
0x9c: {  	[sflag:s21] =	ssyncset.done $0x0  }
0x9d: {  	[sflag:s21] =	ssyncadd.s32 $0xFFFFE000  }
0x9e: {  	_ =	sfence.sel $0x180000  }
0x9f: {  	[bflag:$0x0] =	sbarrier.arrive $0xFFFF  }
0xa0: {  	_ =	strace $0x90000047  }
0xa1: {  	s0 =	stileid.u32;
	[bflag:$0x2] =	sbarrier.arrive $0xFFFF  }
0xa2: {  	p0 =	sne.s32 s0, $0x0;
	s0 =	rddreg [dreg:$0x3]  }
0xa3: {  	s0 =	sadd.s32 @!p0 $0x100000, s0  }
0xa4: {  	[sflag:s0] =	ssyncadd.tile.s32 @!p0 $0x1;
	_ =	shalt  }
.Lfunc_end2:
_tile_overlayer_lowered:
.L_overlay_start_2:
0xa5: {  	(tag) =	ssettag $0x2  }
0xa6: {  	s0 =	rddreg [dreg:$0x0];
	s2 =	stileid.u32  }
0xa7: {  	s1 =	rddreg [dreg:$0x1];
	p0 =	sne.s32 s2, $0x0  }
0xa8: {  	s3 =	rddreg [dreg:$0x2];
	[bflag:$0x3] =	sbarrier.arrive $0xFFFF;
	s2 =	simm.s32 @!p0 $0x1C0B  }
0xa9: {  	[timem:s3], [sflag:s2] =	dma.local @!p0 [hbm:s0], s1  }
0xaa: {  	s0 =	simm.s32 @!p0 $0xB  }
0xab: {  	_ =	swait.ge @!p0 [sflag:s0], s1  }
0xac: {  	s1 =	ssub.s32 @!p0 $0x0, s1;
	[sflag:s0] =	ssyncset.done @!p0 $0x0  }
0xad: {  	[sflag:s0] =	ssyncadd.s32 @!p0 s1  }
0xae: {  	[bflag:$0x3] =	sbarrier.arrive $0xFFFF  }
0xaf: {  	_ =	shalt  }

// kernel: sparse-core-data-format-call.cloned.1.call-start
scs
called_computation_lowered:
.L_overlay_start_0:
0x0: {  	s2 =	sld [smem:$0x3FD9]  }
0x1: {  	s3 =	sld [smem:$0x3FFE];
	_ =	sdelay $0x1  }
0x2: {  	s1 =	srdreg.scid  }
0x3: {  	s0 =	sand.u32 $0x1, s1  }
0x4: {  	s18 =	sshll.u32 s0, $0xA;
	s2 =	sadd.s32 s3, s2  }
0x5: {  	s2 =	sadd.s32 s2, s18  }
0x6: {  	[smem:$0x3FC6] =	sst s2  }
0x7: {  	_ = 	snop  }
0x8: {  	s2 =	sld [smem:$0x3FD0];
	(tm) =	ssettm $0x1  }
0x9: {  	s19 =	sld [smem:$0x3FFB];
	_ =	sdelay $0x3  }
0xa: {  	_ =	strace s19  }
0xb: {  	s3 =	sld [smem:$0x3FFC];
	_ =	sdelay $0x3  }
0xc: {  	_ =	strace s3  }
0xd: {  	s3 =	sld [smem:$0x3FFD];
	_ =	sdelay $0x3  }
0xe: {  	_ =	strace s3  }
0xf: {  	_ =	strace $0x8FFFFFFF  }
0x10: {  	s20 =	sld [smem:$0x3FDB];
	_ =	sdelay $0x1  }
0x11: {  	s4 =	simm.s32 $_scs_section_size  }
0x12: {  	s5 =	simm.s32 $_size__tile_overlayer_lowered;
	s6 =	simm.s32 $_tile_overlayer_lowered  }
0x13: {  	s23 =	simm.s32 $0x1BFF;
	s22 =	sshll.u32 s6, $0x1;
	s3 =	sadd.s32 s4, s20  }
0x14: {  	s7 =	simm.s32 $0x0;
	s21 =	sshll.u32 s5, $0x1;
	s5 =	sadd.s32 s22, s3  }
0x15: {  	[timem:s7], [sflag:s23] =	dma.local [hbm:s5], s21  }
0x16: {  	_ =	swait.ge [sflag:s23], s21  }
0x17: {  	s4 =	ssub.s32 $0x0, s21;
	[sflag:s23] =	ssyncset.done $0x0  }
0x18: {  	[sflag:s23] =	ssyncadd.s32 s4;
	_ =	sdelay $0x1  }
0x19: {  	s24 =	simm.s32 $0x1B8B  }
0x1a: {  	_ =	swait.ge [sflag:s24], $0x1  }
0x1b: {  	[sflag:s24] =	ssyncset.done $0x0  }
0x1c: {  	s26 =	simm.s32 $0x1B8E;
	s25 =	sld [smem:$0x3FFE];
	[sflag:s24] =	ssyncadd.s32 $0xFFFFFFFF  }
0x1d: {  	s27 =	simm.s32 $execute0_lowered;
	[smem:$0x3FD2] =	sst s26  }
0x1e: {  	s5 =	sshll.u32 s27, $0x1;
	_ =	strace $0x80000049;
	[dreg:$0x1] =	wrdreg $0xFFFFFFFF  }
0x1f: {  	s28 =	simm.s32 $_size_execute0_lowered;
	s3 =	sadd.s32 s3, s5;
	[dreg:$0x0] =	wrdreg $0x0  }
0x20: {  	s5 =	sshll.u32 s28, $0x1;
	[dreg:$0x2] =	wrdreg s3  }
0x21: {  	[dreg:$0x3] =	wrdreg s5  }
0x22: {  	[dreg:$0x4] =	wrdreg $0xC0  }
0x23: {  	_ =	task [dreg:s7], $0x5FFFF  }
0x24: {  	[dreg:$0x1] =	wrdreg $0xFFFFFFFF  }
0x25: {  	[dreg:$0x0] =	wrdreg $0x60  }
0x26: {  	[dreg:$0x2] =	wrdreg s25  }
0x27: {  	[dreg:$0x3] =	wrdreg s2  }
0x28: {  	[dreg:$0x4] =	wrdreg $0x9  }
0x29: {  	_ =	task.clear_ibuf [dreg:s7], $0x5FFFF;
	_ =	strace $0x90000049  }
0x2a: {  	s29 =	simm.s32 $0x9;
	_ =	strace $0x8000004B  }
0x2b: {  	_ =	swait.ge [sflag:s29], $0x1  }
0x2c: {  	[sflag:s29] =	ssyncadd.s32 $0xFFFFFFFF  }
0x2d: {  	_ =	strace $0x9000004B  }
0x2e: {  	_ =	sfence  }
0x2f: {  	s30 =	sld [smem:$0x0];
	_ =	sdelay $0x2  }
0x30: {  	s31 =	sshll.u32 s1, $0xD;
	s1 =	sshrl.u32 s1, $0x2  }
0x31: {  	s3 =	sand.u32 $0x4000, s31;
	s1 =	sadd.s32 s1, s30  }
0x32: {  	s0 =	sor.u32 s3, s0;
	s1 =	sshll.u32 s1, $0x11  }
0x33: {  	s0 =	sor.u32 s1, s0  }
0x34: {  	s0 =	sadd.s32 $0x8F2B, s0  }
0x35: {  	[sflag:s0] =	ssyncadd.remote.s32 $0x1  }
0x36: {  	_ =	sfence.sel $0xFFFF  }
0x37: {  	[dreg:$0x0] =	wrdreg $0xFFFFFFFF;
	(pc) =	sbr.abs _section_cstart, $3  }
0x38: {  	[dreg:$0x1] =	wrdreg $0xFFFFFFFF  }
0x39: {  	_ =	task.clear_ibuf [dreg:s7], $0x2FFFF;
	_ =	strace $0x9FFFFFFF  }
0x3a: {  	(tm) =	ssettm $0x7FFFFFFF  }
0x3b: {  	_ =	shalt  }
tec
execute0_lowered:
.L_overlay_start_1:
0x0: {  	(tag) =	ssettag $0x1  }
0x1: {  	s7 =	rddreg [dreg:$0x0]  }
0x2: {  	s2 =	rddreg [dreg:$0x1]  }
0x3: {  	s0 =	stileid.u32;
	s1 =	srdreg.scid;
	s31 =	simm.s32 $0x2  }
0x4: {  	s14 =	simm.s32 $0x0;
	s15 =	simm.s32 $0x0;
	s13 =	simm.s32 $0x0  }
0x5: {  	s3 =	sshll.u32 s0, $0x5;
	s4 =	sshll.u32 s1, $0x9;
	s5 =	sshll.u32 s0, $0x1  }
0x6: {  	s1 =	rddreg [dreg:$0x2];
	s4 =	sor.u32 s3, s4;
	s3 =	sand.u32 $0x6, s5  }
0x7: {  	_ =	strace $0x8000004A;
	s4 =	sand.u32 $0x380, s4;
	s5 =	ssub.s32 $0xC8, s3  }
0x8: {  	s12 =	smov.u32 s3;
	s8 =	sshll.u32 s4, $0x4;
	s6 =	sand.u32 $0x6, s5  }
0x9: {  	s9 =	ssub.s32 $0x400, s4;
	s11 =	sshrl.u32 s5, $0x3;
	s5 =	simm.s32 $0x1  }
0xa: {  	p0 =	sne.s32 s6, $0x0;
	s6 =	simm.s32 $0x1;
	s10 =	sand.u32 $0x380, s9  }
0xb: {  	s6 =	simm.s32 @!p0 $0x0;
	p0 =	sne.s32 s10, $0x0;
	s10 =	simm.s32 $0x1  }
.Ltmp0:
0xc: {  	s9 =	sshrl.u32 s9, $0xA;
	s10 =	simm.s32 @!p0 $0x0;
	(pc) =	sbr.rel .LBB1_1-.Ltmp0, $4  }
0xd: {  	[sflag:s5] =	ssyncpa.u1 $0x0;
	s6 =	sadd.s32 s6, s11;
	s9 =	sadd.s32 s10, s9  }
0xe: {  	s8 =	sadd.s32 s8, s7;
	[sflag:s31] =	ssyncpa.u1 $0x0;
	s6 =	smul.u32 s6, s9  }
0xf: {  	s7 =	sadd.s32 $0x800, s8;
	s8 =	sadd.s32 $0x4800, s8;
	p0 =	por $0x0, $0x0  }
0x10: {  	s11 =	simm.s32 $0x2000;
	s10 =	simm.s32 $0x400;
	s9 =	sadd.s32 $0x1, s6  }
.LBB1_7:
0x11: {  	s16 =	sadd.s32 $0x8, s12  }
0x12: {  	p2 =	sgt.s32 s16, $0xC7  }
0x13: {  	s16 =	smov.u32 @p2 s3;
	p2 =	sne.s32 s13, s9  }
.Ltmp1:
0x14: {  	p1 =	slt.u32 s13, $0x2;
	(pc) =	sbr.rel @!p2 .LBB1_8-.Ltmp1, $4  }
0x15: {  	s14 =	simm.s32 @!p1 $0x2  }
0x16: {  	s17 =	sadd.s32 $0x1, s13;
	s15 =	smov.u32 s12;
	_ =	swait.ge @!p1 [sflag:s14], $0x4000  }
0x17: {  	p0 =	por !p0, !p0;
	s13 =	smov.u32 s17;
	[sflag:s14] =	ssyncset.done @!p1 $0x0  }
0x18: {  	s12 =	smov.u32 s16;
	[sflag:s14] =	ssyncadd.s32 @!p1 $0xFFFFC000;
	s14 =	smov.u32 s4  }
.LBB1_1:
0x19: {  	p1 =	sge.u32 s13, s6  }
0x1a: {  	s16 =	sxor.u32 @!p1 $0xFFFFFFFF, s13  }
0x1b: {  	s17 =	sshll.u32 @!p1 s12, $0xE;
	s19 =	simm.s32 @!p1 $0x40;
	s16 =	sshll.u32 @!p1 s16, $0xE  }
0x1c: {  	s20 =	simm.s32 @!p1 $0x80;
	s18 =	sadd.s32 @!p1 s17, s7;
	s16 =	sand.u32 @!p1 $0x4000, s16  }
0x1d: {  	[tilespmem:s16], [sflag:$0x1] =	stream.strided.gather @!p1 [hbm4b:s18+s19], $0x2000, s20, s19, $0x38;
	[tilespmem:$0x10100] =	vst v63  }
0x1e: {  	s31 =	sadd.s32 $0xFFFFFFFF, s13;
	s17 =	sadd.s32 @!p1 s17, s8;
	s16 =	sor.u32 @!p1 $0x2000, s16  }
0x1f: {  	[tilespmem:s16], [sflag:$0x1] =	stream.strided.gather @!p1 [hbm4b:s17+s19], $0x2000, s20, s19, $0x38;
	[tilespmem:$0x10100] =	vst v63  }
0x20: {  	p1 =	sge.u32 s31, s6  }
.Ltmp2:
0x21: {  	_ = 	snop;
	(pc) =	sbr.rel @p1 .LBB1_7-.Ltmp2, $1  }
0x22: {  	_ =	sdelay $0x3  }
0x23: {  	s16 =	simm.s32 $0x1;
	s18 =	sand.u32 $0x1, s13  }
0x24: {  	_ =	swait.ge [sflag:s5], $0x4000;
	s16 =	simm.s32 @!p0 $0x0;
	s18 =	smul.u32 $0x10200, s18  }
0x25: {  	p2 =	por $0x1, $0x1;
	[sflag:s5] =	ssyncset.done $0x0;
	s17 =	smul.u32 $0x10200, s16  }
0x26: {  	s19 =	sshll.u32 s16, $0x10;
	[sflag:s5] =	ssyncadd.s32 $0xFFFFC000;
	s30 =	sshrl.u32 s18, $0x2  }
0x27: {  	s31 =	sshrl.u32 s19, $0x2;
	s19 =	simm.s32 $0x0;
	s17 =	sshrl.u32 s17, $0x2  }
0x28: {  	s16 =	sor.u32 $0x8000, s30;
	s18 =	sadd.s32 $0x20, s31;
	s17 =	sor.u32 $0x8000, s17  }
.LBB1_3:
0x29: {  	s20 =	sshll.u32 s19, $0xD  }
0x2a: {  	s20 =	sand.u32 $0x3FFFE000, s20  }
0x2b: {  	s22 =	sadd.s32 s20, s18  }
0x2c: {  	s31 =	smul.u32 $0x8100, s19;
	v3 =	vld [tilespmem:s22+$0x10]  }
0x2d: {  	v1 =	vld [tilespmem:s22+$0xFFFFFFF0]  }
0x2e: {  	s19 =	sshra.s32 s31, $0x2;
	v0 =	vld [tilespmem:s22+$0x0]  }
0x2f: {  	s19 =	sadd.s32 s19, s17;
	v2 =	vld [tilespmem:s22+$0xFFFFFFE0]  }
0x30: {  	s20 =	sadd.s32 $0x0, s19  }
0x31: {  	p1 =	por p2, p2;
	s21 =	simm.s32 $0x4;
	s22 =	sadd.s32 $0x40, s22;
	[tilespmem:s20+$0x1830 ss:$0x81] =	vst.msk $0xffff, v3  }
.LBB1_4:
0x32: {  	v3 =	vld [tilespmem:s22+$0x10];
	p2 =	sne.s32 s21, $0x1FC;
	[tilespmem:s20+$0x810 ss:$0x81] =	vst.msk $0xffff, v1;
	s23 =	smov.u32 s21;
	s21 =	sadd.s32 $0x4, s21  }
.Ltmp3:
0x33: {  	v1 =	vld [tilespmem:s22+$0xFFFFFFF0];
	[tilespmem:s20+$0x1020 ss:$0x81] =	vst.msk $0xffff, v0;
	(pc) =	sbr.rel @p2 .LBB1_4-.Ltmp3, $4  }
0x34: {  	v0 =	vld [tilespmem:s22+$0x0];
	[tilespmem:s20+$0x0 ss:$0x81] =	vst.msk $0xffff, v2  }
0x35: {  	s20 =	sshra.s32 s23, $0x2;
	v2 =	vld [tilespmem:s22+$0xFFFFFFE0]  }
0x36: {  	s20 =	sadd.s32 s20, s19  }
0x37: {  	s22 =	sadd.s32 $0x40, s22;
	[tilespmem:s20+$0x1830 ss:$0x81] =	vst.msk $0xffff, v3  }
.Ltmp4:
0x38: {  	(pc) =	sbr.rel @p1 .LBB1_3-.Ltmp4, $4  }
0x39: {  	_ = 	snop  }
0x3a: {  	[tilespmem:s20+$0x810 ss:$0x81] =	vst.msk $0xffff, v1  }
0x3b: {  	[tilespmem:s20+$0x1020 ss:$0x81] =	vst.msk $0xffff, v0  }
0x3c: {  	s19 =	simm.s32 $0x1;
	p2 =	por $0x0, $0x0;
	[tilespmem:s20+$0x0 ss:$0x81] =	vst.msk $0xffff, v2  }
.Ltmp5:
0x3d: {  	(pc) =	sbr.rel .LBB1_7-.Ltmp5, $4  }
0x3e: {  	_ = 	snop  }
0x3f: {  	s15 =	sshll.u32 s15, $0xD;
	s14 =	sadd.s32 s2, s14  }
0x40: {  	s14 =	sadd.s32 s15, s14  }
0x41: {  	[hbm4b:s14+s10] =	stream.strided.scatter [tilespmem:s16], [sflag:$0x2], $0x4000, s11, s10, $0x20;
	[tilespmem:$0x10100] =	vst v63  }
.LBB1_8:
0x42: {  	_ =	sfence.sel $0x180000  }
0x43: {  	s2 =	simm.s32 $0x1;
	[bflag:$0x0] =	sbarrier.arrive $0xFFFF  }
0x44: {  	s31 =	simm.s32 $0x2;
	[sflag:s2] =	ssyncpa.u1 $0x1  }
0x45: {  	[sflag:s31] =	ssyncpa.u1 $0x1  }
0x46: {  	p0 =	sne.s32 s0, $0x0;
	_ =	strace $0x9000004A  }
0x47: {  	s0 =	sadd.s32 @!p0 $0x100000, s1;
	[bflag:$0x2] =	sbarrier.arrive $0xFFFF  }
0x48: {  	[sflag:s0] =	ssyncadd.tile.s32 @!p0 $0x1;
	_ =	shalt  }
.Lfunc_end1:
_tile_overlayer_lowered:
.L_overlay_start_2:
0x49: {  	(tag) =	ssettag $0x2  }
0x4a: {  	s0 =	rddreg [dreg:$0x0];
	s2 =	stileid.u32  }
0x4b: {  	s1 =	rddreg [dreg:$0x1];
	p0 =	sne.s32 s2, $0x0  }
0x4c: {  	s3 =	rddreg [dreg:$0x2];
	[bflag:$0x3] =	sbarrier.arrive $0xFFFF;
	s2 =	simm.s32 @!p0 $0x1C01  }
0x4d: {  	[timem:s3], [sflag:s2] =	dma.local @!p0 [hbm:s0], s1  }
0x4e: {  	s0 =	simm.s32 @!p0 $0x1  }
0x4f: {  	_ =	swait.ge @!p0 [sflag:s0], s1  }
0x50: {  	s1 =	ssub.s32 @!p0 $0x0, s1;
	[sflag:s0] =	ssyncset.done @!p0 $0x0  }
0x51: {  	[sflag:s0] =	ssyncadd.s32 @!p0 s1  }
0x52: {  	[bflag:$0x3] =	sbarrier.arrive $0xFFFF  }
0x53: {  	_ =	shalt  }

</sc_bundles>
